<compile_context>
chip_gen: v7x
topology: tpu7x:2x2x1
jax: 0.10.2.dev20260603
libtpu: 0.0.44.dev20260713+nightly
codegen_flags: <defaults>
</compile_context>

<pallas_src>
import functools

import jax
import jax.numpy as jnp
from jax import lax
from jax.experimental import pallas as pl
from jax.experimental.pallas import tpu as pltpu
from jax.experimental.pallas import tpu_sc as plsc

NC = 2
NS = 16
NW = NC * NS
LANES = 16
CH = 128
NBUF = 4


def _sc_degree(dst_r, ones16, zeros16, n_pad):
  K = dst_r.shape[1]
  rpt = n_pad // NS
  mesh = plsc.VectorSubcoreMesh(core_axis_name="c", subcore_axis_name="s",
                                num_cores=NC)

  @functools.partial(
      pl.kernel,
      out_type=jax.ShapeDtypeStruct((NC, n_pad, LANES), jnp.float32),
      mesh=mesh,
      scratch_types=[
          pltpu.VMEM((K, CH), jnp.int32),
          pltpu.VMEM((CH, LANES), jnp.float32),
          pltpu.VMEM_SHARED((n_pad, LANES), jnp.float32),
          pltpu.SemaphoreType.DMA,
      ],
      compiler_params=pltpu.CompilerParams(use_tc_tiling_on_sc=False),
  )
  def deg_kernel(dst_hbm, ones_hbm, zeros_hbm, out_hbm, idx_v, ones_v, acc_sh,
                 sem):
    c = lax.axis_index("c")
    s = lax.axis_index("s")
    wid = c * NS + s
    pltpu.sync_copy(dst_hbm.at[wid], idx_v)
    pltpu.sync_copy(ones_hbm, ones_v)
    rows = pl.ds(s * rpt, rpt)
    pltpu.sync_copy(zeros_hbm.at[rows], acc_sh.at[rows])
    plsc.subcore_barrier()

    def body(g, carry):
      j0 = 2 * g
      j1 = j0 + 1
      pltpu.async_copy(ones_v, acc_sh.at[idx_v.at[j0]], sem, add=True)
      pltpu.async_copy(ones_v, acc_sh.at[idx_v.at[j1]], sem, add=True)
      pltpu.make_async_copy(ones_v, acc_sh.at[idx_v.at[j0]], sem).wait()
      pltpu.make_async_copy(ones_v, acc_sh.at[idx_v.at[j1]], sem).wait()
      return carry

    lax.fori_loop(0, K // 2, body, 0)
    plsc.subcore_barrier()
    pltpu.sync_copy(acc_sh.at[rows], out_hbm.at[c, rows])

  return deg_kernel(dst_r, ones16, zeros16)


def _sc_propagate(table, src_r, dst_r, zerosC, n_pad, C):
  K = src_r.shape[1]
  rpt = n_pad // NS
  mesh = plsc.VectorSubcoreMesh(core_axis_name="c", subcore_axis_name="s",
                                num_cores=NC)

  @functools.partial(
      pl.kernel,
      out_type=jax.ShapeDtypeStruct((NC, n_pad, C), jnp.float32),
      mesh=mesh,
      scratch_types=[
          pltpu.VMEM((K, CH), jnp.int32),
          pltpu.VMEM((K, CH), jnp.int32),
          pltpu.VMEM((CH, C), jnp.float32),
          pltpu.VMEM((CH, C), jnp.float32),
          pltpu.VMEM_SHARED((n_pad, C), jnp.float32),
          pltpu.VMEM_SHARED((n_pad, C), jnp.float32),
          pltpu.SemaphoreType.DMA,
      ],
      compiler_params=pltpu.CompilerParams(use_tc_tiling_on_sc=False),
  )
  def prop_kernel(table_hbm, src_hbm, dst_hbm, zeros_hbm, out_hbm,
                  isrc_v, idst_v, rows_v, rows2_v, table_sh, acc_sh, sem):
    c = lax.axis_index("c")
    s = lax.axis_index("s")
    wid = c * NS + s
    pltpu.sync_copy(src_hbm.at[wid], isrc_v)
    pltpu.sync_copy(dst_hbm.at[wid], idst_v)
    rows = pl.ds(s * rpt, rpt)
    pltpu.sync_copy(table_hbm.at[rows], table_sh.at[rows])
    pltpu.sync_copy(zeros_hbm.at[rows], acc_sh.at[rows])
    plsc.subcore_barrier()

    pltpu.async_copy(table_sh.at[isrc_v.at[0]], rows_v, sem)

    def body(g, carry):
      j0 = 2 * g
      j1 = j0 + 1
      pltpu.make_async_copy(table_sh.at[isrc_v.at[j0]], rows_v, sem).wait()
      pltpu.async_copy(table_sh.at[isrc_v.at[j1]], rows2_v, sem)
      pltpu.sync_copy(rows_v, acc_sh.at[idst_v.at[j0]], add=True)
      pltpu.make_async_copy(table_sh.at[isrc_v.at[j1]], rows2_v, sem).wait()

      @pl.when(j1 + 1 < K)
      def _():
        pltpu.async_copy(table_sh.at[isrc_v.at[j1 + 1]], rows_v, sem)

      pltpu.sync_copy(rows2_v, acc_sh.at[idst_v.at[j1]], add=True)
      return carry

    lax.fori_loop(0, K // 2, body, 0)
    plsc.subcore_barrier()
    pltpu.sync_copy(acc_sh.at[rows], out_hbm.at[c, rows])

  return prop_kernel(table, src_r, dst_r, zerosC)


def _tc_scale2(s1_parts, g1, dinv16):
  _, n_pad, C = s1_parts.shape
  nblk = 8
  rb = n_pad // nblk

  def k(sp_ref, g1_ref, dinv_ref, g2_ref):
    s = sp_ref[0] + sp_ref[1]
    di = dinv_ref[...][:, :1]
    g2_ref[...] = (di * di) * (s + g1_ref[...])

  return pl.pallas_call(
      k,
      grid=(nblk,),
      in_specs=[
          pl.BlockSpec((NC, rb, C), lambda i: (0, i, 0)),
          pl.BlockSpec((rb, C), lambda i: (i, 0)),
          pl.BlockSpec((rb, LANES), lambda i: (i, 0)),
      ],
      out_specs=pl.BlockSpec((rb, C), lambda i: (i, 0)),
      out_shape=jax.ShapeDtypeStruct((n_pad, C), jnp.float32),
  )(s1_parts, g1, dinv16)


def _tc_matmul_scale1(deg_parts, x_pad, W):
  n_pad, D = x_pad.shape
  C = W.shape[0]
  nblk = 8
  rb = n_pad // nblk

  def k(p_ref, x_ref, w_ref, dinv_ref, g1_ref):
    y = lax.dot_general(
        x_ref[...], w_ref[...], (((1,), (1,)), ((), ())),
        preferred_element_type=jnp.float32)
    d = p_ref[0] + p_ref[1] + 1.0
    dinv = lax.rsqrt(d)
    dinv_ref[...] = dinv
    g1_ref[...] = dinv[:, :1] * y

  return pl.pallas_call(
      k,
      grid=(nblk,),
      in_specs=[
          pl.BlockSpec((NC, rb, LANES), lambda i: (0, i, 0)),
          pl.BlockSpec((rb, D), lambda i: (i, 0)),
          pl.BlockSpec((C, D), lambda i: (0, 0)),
      ],
      out_specs=[
          pl.BlockSpec((rb, LANES), lambda i: (i, 0)),
          pl.BlockSpec((rb, C), lambda i: (i, 0)),
      ],
      out_shape=[
          jax.ShapeDtypeStruct((n_pad, LANES), jnp.float32),
          jax.ShapeDtypeStruct((n_pad, C), jnp.float32),
      ],
  )(deg_parts, x_pad, W)


def _tc_final(s2_parts, g2, dinv16, b2d):
  _, n_pad, C = s2_parts.shape
  nblk = 8
  rb = n_pad // nblk

  def k(sp_ref, g2_ref, dinv_ref, b_ref, o_ref):
    s = sp_ref[0] + sp_ref[1]
    di = dinv_ref[...][:, :1]
    o_ref[...] = di * (s + g2_ref[...]) + b_ref[...]

  return pl.pallas_call(
      k,
      grid=(nblk,),
      in_specs=[
          pl.BlockSpec((NC, rb, C), lambda i: (0, i, 0)),
          pl.BlockSpec((rb, C), lambda i: (i, 0)),
          pl.BlockSpec((rb, LANES), lambda i: (i, 0)),
          pl.BlockSpec((1, C), lambda i: (0, 0)),
      ],
      out_specs=pl.BlockSpec((rb, C), lambda i: (i, 0)),
      out_shape=jax.ShapeDtypeStruct((n_pad, C), jnp.float32),
  )(s2_parts, g2, dinv16, b2d)


def kernel(x, edge_index, W, b):
  N, D = x.shape
  C = W.shape[0]
  E = edge_index.shape[1]

  K = -(-E // (NW * CH))
  K = -(-K // NBUF) * NBUF
  e_pad = NW * K * CH
  n_pad = -(-(N + 1) // (NS * 8)) * (NS * 8)

  ei = edge_index.astype(jnp.int32)
  if e_pad > E:
    pad = jnp.full((2, e_pad - E), N, dtype=jnp.int32)
    ei = jnp.concatenate([ei, pad], axis=1)
  src_r = ei[0].reshape(NW, K, CH)
  dst_r = ei[1].reshape(NW, K, CH)

  x_pad = jnp.zeros((n_pad, D), jnp.float32).at[:N].set(x)
  ones16 = jnp.ones((CH, LANES), jnp.float32)
  zeros16 = jnp.zeros((n_pad, LANES), jnp.float32)
  zerosC = jnp.zeros((n_pad, C), jnp.float32)

  deg_parts = _sc_degree(dst_r, ones16, zeros16, n_pad)
  dinv16, g1 = _tc_matmul_scale1(deg_parts, x_pad, W)
  s1 = _sc_propagate(g1, src_r, dst_r, zerosC, n_pad, C)
  g2 = _tc_scale2(s1, g1, dinv16)
  s2 = _sc_propagate(g2, src_r, dst_r, zerosC, n_pad, C)
  out_pad = _tc_final(s2, g2, dinv16, b.reshape(1, C))
  return out_pad[:N]

# --- scband reference (transcript-rebuilt; emitter-appended) ---
"""Pipeline reference for scband-sgc-8967891714113 (READ-ONLY COPY).

The authoritative reference and input builder live on the scoring server;
editing this copy changes nothing except your own understanding.
"""

import jax, jax.numpy as jnp
import numpy as np

N_NODES = 10000
D_FEAT = 128
N_EDGES = 320000
N_CLASS = 64


def setup_inputs(seed: int = 0) -> dict:
    key = jax.random.key(seed)
    k1, k2, k3 = jax.random.split(key, 3)
    x = jax.random.normal(k1, (N_NODES, D_FEAT), dtype=jnp.float32)
    edge_index = jax.random.randint(k2, (2, N_EDGES), 0, N_NODES, dtype=jnp.int32).astype(jnp.int64)
    # SGConv(nfeat, nclass, K=2, cached=False): lin = Linear(nfeat, nclass, bias=True)
    W = jax.random.normal(k3, (N_CLASS, D_FEAT), dtype=jnp.float32) * 0.05
    b = jnp.zeros((N_CLASS,), dtype=jnp.float32)
    return {"x": x, "edge_index": edge_index, "W": W, "b": b}


def reference(x, edge_index, W, b):
    # Faithful PyG SGConv with K=2, add_self_loops=True, symmetric gcn_norm.
    N = x.shape[0]
    src = edge_index[0]
    dst = edge_index[1]
    loop = jnp.arange(N, dtype=src.dtype)
    src = jnp.concatenate([src, loop])
    dst = jnp.concatenate([dst, loop])
    ew = jnp.ones(src.shape[0], dtype=x.dtype)
    deg = jax.ops.segment_sum(ew, dst, num_segments=N)
    deg_inv_sqrt = jnp.where(deg > 0, 1.0 / jnp.sqrt(deg), 0.0)
    norm = deg_inv_sqrt[src] * ew * deg_inv_sqrt[dst]

    def prop(h):
        msg = h[src] * norm[:, None]
        return jax.ops.segment_sum(msg, dst, num_segments=N)

    h = prop(prop(x))  # K = 2 propagation steps
    return h @ W.T + b

if __name__ == "__main__":
    import jax
    _d = setup_inputs()
    print(jax.jit(kernel)(*tuple(_d.values())))

</pallas_src>

<mosaic_0001>
#map = affine_map<(d0, d1) -> (0, 0)>
#map1 = affine_map<(d0, d1) -> (0, 0, 0)>
module attributes {stable_mosaic.version = 14 : i64} {
  func.func @prop_kernel(%arg0: i32, %arg1: i32, %arg2: memref<10112x64xf32, #tpu.memory_space<hbm>>, %arg3: memref<32x80x128xi32, #tpu.memory_space<hbm>>, %arg4: memref<32x80x128xi32, #tpu.memory_space<hbm>>, %arg5: memref<10112x64xf32, #tpu.memory_space<hbm>>, %arg6: memref<2x10112x64xf32, #tpu.memory_space<hbm>>, %arg7: memref<80x128xi32, #tpu.memory_space<vmem>>, %arg8: memref<80x128xi32, #tpu.memory_space<vmem>>, %arg9: memref<128x64xf32, #tpu.memory_space<vmem>>, %arg10: memref<128x64xf32, #tpu.memory_space<vmem>>, %arg11: memref<10112x64xf32, #tpu.memory_space<vmem_shared>>, %arg12: memref<10112x64xf32, #tpu.memory_space<vmem_shared>>, %arg13: memref<!tpu.dma_semaphore, #tpu.memory_space<semaphore_mem>>) attributes {dimension_semantics = [#tpu.dimension_semantics<core_parallel>, #tpu.dimension_semantics<subcore_parallel>], iteration_bounds = array<i64: 2, 16>, scalar_prefetch = 0 : i64, scratch_operands = 7 : i64, tpu.core_type = #tpu.core_type<sc_vector_subcore>, window_params = [{transform_indices = #map}, {transform_indices = #map1}, {transform_indices = #map1}, {transform_indices = #map}, {transform_indices = #map1}]} {
    %mul3A = arith.constant 16 : i32
    %mul3A_0 = arith.muli %arg0, %mul3A : i32
    %add3A = arith.addi %mul3A_0, %arg1 : i32
    "tpu.region"() ({
      %run_scoped3A = tpu.sem_alloc : memref<!tpu.dma_semaphore, #tpu.memory_space<semaphore_mem>>
      %dma_start3A_15 = arith.constant 0 : i32
      %dma_start3A_16 = arith.constant 0 : i32
      %dma_start3A_17 = tpu.memref_slice %arg3[%add3A, %dma_start3A_15, %dma_start3A_16] : memref<32x80x128xi32, #tpu.memory_space<hbm>> -> memref<1x80x128xi32, #tpu.memory_space<hbm>>
      %dma_start3A_18 = tpu.memref_squeeze %dma_start3A_17 : memref<1x80x128xi32, #tpu.memory_space<hbm>> -> memref<80x128xi32, #tpu.memory_space<hbm>>
      %dma_start3A_19 = arith.constant 0 : i32
      %dma_start3A_20 = arith.constant 0 : i32
      %dma_start3A_21 = tpu.memref_slice %arg3[%add3A, %dma_start3A_19, %dma_start3A_20] : memref<32x80x128xi32, #tpu.memory_space<hbm>> -> memref<1x80x128xi32, #tpu.memory_space<hbm>>
      %dma_start3A_22 = tpu.memref_squeeze %dma_start3A_21 : memref<1x80x128xi32, #tpu.memory_space<hbm>> -> memref<80x128xi32, #tpu.memory_space<hbm>>
      tpu.enqueue_dma source(%dma_start3A_22 : memref<80x128xi32, #tpu.memory_space<hbm>>) target(%arg7 : memref<80x128xi32, #tpu.memory_space<vmem>>) target_semaphore(%run_scoped3A : memref<!tpu.dma_semaphore, #tpu.memory_space<semaphore_mem>>)
      %dma_wait3A = arith.constant 0 : i32
      %dma_wait3A_23 = arith.constant 0 : i32
      %dma_wait3A_24 = tpu.memref_slice %arg3[%add3A, %dma_wait3A, %dma_wait3A_23] : memref<32x80x128xi32, #tpu.memory_space<hbm>> -> memref<1x80x128xi32, #tpu.memory_space<hbm>>
      %dma_wait3A_25 = tpu.memref_squeeze %dma_wait3A_24 : memref<1x80x128xi32, #tpu.memory_space<hbm>> -> memref<80x128xi32, #tpu.memory_space<hbm>>
      %dma_wait3A_26 = arith.constant 0 : i32
      %dma_wait3A_27 = arith.constant 0 : i32
      %dma_wait3A_28 = tpu.memref_slice %arg3[%add3A, %dma_wait3A_26, %dma_wait3A_27] : memref<32x80x128xi32, #tpu.memory_space<hbm>> -> memref<1x80x128xi32, #tpu.memory_space<hbm>>
      %dma_wait3A_29 = tpu.memref_squeeze %dma_wait3A_28 : memref<1x80x128xi32, #tpu.memory_space<hbm>> -> memref<80x128xi32, #tpu.memory_space<hbm>>
      tpu.wait_dma2 semaphore(%run_scoped3A : memref<!tpu.dma_semaphore, #tpu.memory_space<semaphore_mem>>) src(%dma_wait3A_29 : memref<80x128xi32, #tpu.memory_space<hbm>>) dst(%arg7 : memref<80x128xi32, #tpu.memory_space<vmem>>)
      tpu.yield
    }) : () -> ()
    "tpu.region"() ({
      %run_scoped3A = tpu.sem_alloc : memref<!tpu.dma_semaphore, #tpu.memory_space<semaphore_mem>>
      %dma_start3A_15 = arith.constant 0 : i32
      %dma_start3A_16 = arith.constant 0 : i32
      %dma_start3A_17 = tpu.memref_slice %arg4[%add3A, %dma_start3A_15, %dma_start3A_16] : memref<32x80x128xi32, #tpu.memory_space<hbm>> -> memref<1x80x128xi32, #tpu.memory_space<hbm>>
      %dma_start3A_18 = tpu.memref_squeeze %dma_start3A_17 : memref<1x80x128xi32, #tpu.memory_space<hbm>> -> memref<80x128xi32, #tpu.memory_space<hbm>>
      %dma_start3A_19 = arith.constant 0 : i32
      %dma_start3A_20 = arith.constant 0 : i32
      %dma_start3A_21 = tpu.memref_slice %arg4[%add3A, %dma_start3A_19, %dma_start3A_20] : memref<32x80x128xi32, #tpu.memory_space<hbm>> -> memref<1x80x128xi32, #tpu.memory_space<hbm>>
      %dma_start3A_22 = tpu.memref_squeeze %dma_start3A_21 : memref<1x80x128xi32, #tpu.memory_space<hbm>> -> memref<80x128xi32, #tpu.memory_space<hbm>>
      tpu.enqueue_dma source(%dma_start3A_22 : memref<80x128xi32, #tpu.memory_space<hbm>>) target(%arg8 : memref<80x128xi32, #tpu.memory_space<vmem>>) target_semaphore(%run_scoped3A : memref<!tpu.dma_semaphore, #tpu.memory_space<semaphore_mem>>)
      %dma_wait3A = arith.constant 0 : i32
      %dma_wait3A_23 = arith.constant 0 : i32
      %dma_wait3A_24 = tpu.memref_slice %arg4[%add3A, %dma_wait3A, %dma_wait3A_23] : memref<32x80x128xi32, #tpu.memory_space<hbm>> -> memref<1x80x128xi32, #tpu.memory_space<hbm>>
      %dma_wait3A_25 = tpu.memref_squeeze %dma_wait3A_24 : memref<1x80x128xi32, #tpu.memory_space<hbm>> -> memref<80x128xi32, #tpu.memory_space<hbm>>
      %dma_wait3A_26 = arith.constant 0 : i32
      %dma_wait3A_27 = arith.constant 0 : i32
      %dma_wait3A_28 = tpu.memref_slice %arg4[%add3A, %dma_wait3A_26, %dma_wait3A_27] : memref<32x80x128xi32, #tpu.memory_space<hbm>> -> memref<1x80x128xi32, #tpu.memory_space<hbm>>
      %dma_wait3A_29 = tpu.memref_squeeze %dma_wait3A_28 : memref<1x80x128xi32, #tpu.memory_space<hbm>> -> memref<80x128xi32, #tpu.memory_space<hbm>>
      tpu.wait_dma2 semaphore(%run_scoped3A : memref<!tpu.dma_semaphore, #tpu.memory_space<semaphore_mem>>) src(%dma_wait3A_29 : memref<80x128xi32, #tpu.memory_space<hbm>>) dst(%arg8 : memref<80x128xi32, #tpu.memory_space<vmem>>)
      tpu.yield
    }) : () -> ()
    %mul3A_1 = arith.constant 632 : i32
    %mul3A_2 = arith.muli %arg1, %mul3A_1 : i32
    "tpu.region"() ({
      %run_scoped3A = tpu.sem_alloc : memref<!tpu.dma_semaphore, #tpu.memory_space<semaphore_mem>>
      %dma_start3A_15 = arith.constant 0 : i32
      %dma_start3A_16 = tpu.memref_slice %arg11[%mul3A_2, %dma_start3A_15] : memref<10112x64xf32, #tpu.memory_space<vmem_shared>> -> memref<632x64xf32, #tpu.memory_space<vmem_shared>>
      %dma_start3A_17 = arith.constant 0 : i32
      %dma_start3A_18 = tpu.memref_slice %arg2[%mul3A_2, %dma_start3A_17] : memref<10112x64xf32, #tpu.memory_space<hbm>> -> memref<632x64xf32, #tpu.memory_space<hbm>>
      tpu.enqueue_dma source(%dma_start3A_18 : memref<632x64xf32, #tpu.memory_space<hbm>>) target(%dma_start3A_16 : memref<632x64xf32, #tpu.memory_space<vmem_shared>>) target_semaphore(%run_scoped3A : memref<!tpu.dma_semaphore, #tpu.memory_space<semaphore_mem>>)
      %dma_wait3A = arith.constant 0 : i32
      %dma_wait3A_19 = tpu.memref_slice %arg11[%mul3A_2, %dma_wait3A] : memref<10112x64xf32, #tpu.memory_space<vmem_shared>> -> memref<632x64xf32, #tpu.memory_space<vmem_shared>>
      %dma_wait3A_20 = arith.constant 0 : i32
      %dma_wait3A_21 = tpu.memref_slice %arg2[%mul3A_2, %dma_wait3A_20] : memref<10112x64xf32, #tpu.memory_space<hbm>> -> memref<632x64xf32, #tpu.memory_space<hbm>>
      tpu.wait_dma2 semaphore(%run_scoped3A : memref<!tpu.dma_semaphore, #tpu.memory_space<semaphore_mem>>) src(%dma_wait3A_21 : memref<632x64xf32, #tpu.memory_space<hbm>>) dst(%dma_wait3A_19 : memref<632x64xf32, #tpu.memory_space<vmem_shared>>)
      tpu.yield
    }) : () -> ()
    "tpu.region"() ({
      %run_scoped3A = tpu.sem_alloc : memref<!tpu.dma_semaphore, #tpu.memory_space<semaphore_mem>>
      %dma_start3A_15 = arith.constant 0 : i32
      %dma_start3A_16 = tpu.memref_slice %arg12[%mul3A_2, %dma_start3A_15] : memref<10112x64xf32, #tpu.memory_space<vmem_shared>> -> memref<632x64xf32, #tpu.memory_space<vmem_shared>>
      %dma_start3A_17 = arith.constant 0 : i32
      %dma_start3A_18 = tpu.memref_slice %arg5[%mul3A_2, %dma_start3A_17] : memref<10112x64xf32, #tpu.memory_space<hbm>> -> memref<632x64xf32, #tpu.memory_space<hbm>>
      tpu.enqueue_dma source(%dma_start3A_18 : memref<632x64xf32, #tpu.memory_space<hbm>>) target(%dma_start3A_16 : memref<632x64xf32, #tpu.memory_space<vmem_shared>>) target_semaphore(%run_scoped3A : memref<!tpu.dma_semaphore, #tpu.memory_space<semaphore_mem>>)
      %dma_wait3A = arith.constant 0 : i32
      %dma_wait3A_19 = tpu.memref_slice %arg12[%mul3A_2, %dma_wait3A] : memref<10112x64xf32, #tpu.memory_space<vmem_shared>> -> memref<632x64xf32, #tpu.memory_space<vmem_shared>>
      %dma_wait3A_20 = arith.constant 0 : i32
      %dma_wait3A_21 = tpu.memref_slice %arg5[%mul3A_2, %dma_wait3A_20] : memref<10112x64xf32, #tpu.memory_space<hbm>> -> memref<632x64xf32, #tpu.memory_space<hbm>>
      tpu.wait_dma2 semaphore(%run_scoped3A : memref<!tpu.dma_semaphore, #tpu.memory_space<semaphore_mem>>) src(%dma_wait3A_21 : memref<632x64xf32, #tpu.memory_space<hbm>>) dst(%dma_wait3A_19 : memref<632x64xf32, #tpu.memory_space<vmem_shared>>)
      tpu.yield
    }) : () -> ()
    %barrier3A = arith.constant 0 : index
    tpu.barrier barrier_id(%barrier3A)
    %dma_start3A = arith.constant 0 : i32
    %dma_start3A_3 = arith.constant 0 : i32
    %dma_start3A_4 = tpu.memref_slice %arg7[%dma_start3A, %dma_start3A_3] : memref<80x128xi32, #tpu.memory_space<vmem>> -> memref<1x128xi32, #tpu.memory_space<vmem>>
    %dma_start3A_5 = tpu.memref_squeeze %dma_start3A_4 : memref<1x128xi32, #tpu.memory_space<vmem>> -> memref<128xi32, #tpu.memory_space<vmem>>
    %dma_start3A_6 = arith.constant 0 : i32
    %dma_start3A_7 = arith.constant 0 : i32
    %dma_start3A_8 = tpu.memref_slice %arg11[%dma_start3A_6, %dma_start3A_7] : memref<10112x64xf32, #tpu.memory_space<vmem_shared>> -> memref<10112x64xf32, #tpu.memory_space<vmem_shared>>
    tpu.enqueue_indirect_dma source(%dma_start3A_8 : memref<10112x64xf32, #tpu.memory_space<vmem_shared>>) target(%arg9 : memref<128x64xf32, #tpu.memory_space<vmem>>) offsets(%dma_start3A_5 : memref<128xi32, #tpu.memory_space<vmem>>) semaphore(%arg13 : memref<!tpu.dma_semaphore, #tpu.memory_space<semaphore_mem>>)
    %scan3A = arith.constant 0 : i32
    %scan3A_9 = arith.constant 0 : i32
    %scan3A_10 = arith.constant 40 : i32
    %scan3A_11 = arith.addi %scan3A_9, %scan3A_10 : i32
    %scan3A_12 = arith.constant 1 : i32
    scf.for %scan3A_15 = %scan3A_9 to %scan3A_11 step %scan3A_12  : i32 {
      %mul3A_16 = arith.constant 2 : i32
      %mul3A_17 = arith.muli %mul3A_16, %scan3A_15 : i32
      %add3A_18 = arith.constant 1 : i32
      %add3A_19 = arith.addi %mul3A_17, %add3A_18 : i32
      %dma_wait3A = arith.constant 0 : i32
      %dma_wait3A_20 = tpu.memref_slice %arg7[%mul3A_17, %dma_wait3A] : memref<80x128xi32, #tpu.memory_space<vmem>> -> memref<1x128xi32, #tpu.memory_space<vmem>>
      %dma_wait3A_21 = tpu.memref_squeeze %dma_wait3A_20 : memref<1x128xi32, #tpu.memory_space<vmem>> -> memref<128xi32, #tpu.memory_space<vmem>>
      %dma_wait3A_22 = arith.constant 0 : i32
      %dma_wait3A_23 = arith.constant 0 : i32
      %dma_wait3A_24 = tpu.memref_slice %arg11[%dma_wait3A_22, %dma_wait3A_23] : memref<10112x64xf32, #tpu.memory_space<vmem_shared>> -> memref<10112x64xf32, #tpu.memory_space<vmem_shared>>
      tpu.wait_indirect_dma semaphore(%arg13 : memref<!tpu.dma_semaphore, #tpu.memory_space<semaphore_mem>>) src(%dma_wait3A_24 : memref<10112x64xf32, #tpu.memory_space<vmem_shared>>) dst(%arg9 : memref<128x64xf32, #tpu.memory_space<vmem>>)
      %dma_start3A_25 = arith.constant 0 : i32
      %dma_start3A_26 = tpu.memref_slice %arg7[%add3A_19, %dma_start3A_25] : memref<80x128xi32, #tpu.memory_space<vmem>> -> memref<1x128xi32, #tpu.memory_space<vmem>>
      %dma_start3A_27 = tpu.memref_squeeze %dma_start3A_26 : memref<1x128xi32, #tpu.memory_space<vmem>> -> memref<128xi32, #tpu.memory_space<vmem>>
      %dma_start3A_28 = arith.constant 0 : i32
      %dma_start3A_29 = arith.constant 0 : i32
      %dma_start3A_30 = tpu.memref_slice %arg11[%dma_start3A_28, %dma_start3A_29] : memref<10112x64xf32, #tpu.memory_space<vmem_shared>> -> memref<10112x64xf32, #tpu.memory_space<vmem_shared>>
      tpu.enqueue_indirect_dma source(%dma_start3A_30 : memref<10112x64xf32, #tpu.memory_space<vmem_shared>>) target(%arg10 : memref<128x64xf32, #tpu.memory_space<vmem>>) offsets(%dma_start3A_27 : memref<128xi32, #tpu.memory_space<vmem>>) semaphore(%arg13 : memref<!tpu.dma_semaphore, #tpu.memory_space<semaphore_mem>>)
      "tpu.region"() ({
        %run_scoped3A = tpu.sem_alloc : memref<!tpu.dma_semaphore, #tpu.memory_space<semaphore_mem>>
        %dma_start3A_41 = arith.constant 0 : i32
        %dma_start3A_42 = tpu.memref_slice %arg8[%mul3A_17, %dma_start3A_41] : memref<80x128xi32, #tpu.memory_space<vmem>> -> memref<1x128xi32, #tpu.memory_space<vmem>>
        %dma_start3A_43 = tpu.memref_squeeze %dma_start3A_42 : memref<1x128xi32, #tpu.memory_space<vmem>> -> memref<128xi32, #tpu.memory_space<vmem>>
        %dma_start3A_44 = arith.constant 0 : i32
        %dma_start3A_45 = arith.constant 0 : i32
        %dma_start3A_46 = tpu.memref_slice %arg12[%dma_start3A_44, %dma_start3A_45] : memref<10112x64xf32, #tpu.memory_space<vmem_shared>> -> memref<10112x64xf32, #tpu.memory_space<vmem_shared>>
        tpu.enqueue_indirect_dma source(%arg9 : memref<128x64xf32, #tpu.memory_space<vmem>>) target(%dma_start3A_46 : memref<10112x64xf32, #tpu.memory_space<vmem_shared>>) offsets(%dma_start3A_43 : memref<128xi32, #tpu.memory_space<vmem>>) semaphore(%run_scoped3A : memref<!tpu.dma_semaphore, #tpu.memory_space<semaphore_mem>>) {add = true}
        %dma_wait3A_47 = arith.constant 0 : i32
        %dma_wait3A_48 = tpu.memref_slice %arg8[%mul3A_17, %dma_wait3A_47] : memref<80x128xi32, #tpu.memory_space<vmem>> -> memref<1x128xi32, #tpu.memory_space<vmem>>
        %dma_wait3A_49 = tpu.memref_squeeze %dma_wait3A_48 : memref<1x128xi32, #tpu.memory_space<vmem>> -> memref<128xi32, #tpu.memory_space<vmem>>
        %dma_wait3A_50 = arith.constant 0 : i32
        %dma_wait3A_51 = arith.constant 0 : i32
        %dma_wait3A_52 = tpu.memref_slice %arg12[%dma_wait3A_50, %dma_wait3A_51] : memref<10112x64xf32, #tpu.memory_space<vmem_shared>> -> memref<10112x64xf32, #tpu.memory_space<vmem_shared>>
        tpu.wait_indirect_dma semaphore(%run_scoped3A : memref<!tpu.dma_semaphore, #tpu.memory_space<semaphore_mem>>) src(%arg9 : memref<128x64xf32, #tpu.memory_space<vmem>>) dst(%dma_wait3A_52 : memref<10112x64xf32, #tpu.memory_space<vmem_shared>>)
        tpu.yield
      }) : () -> ()
      %dma_wait3A_31 = arith.constant 0 : i32
      %dma_wait3A_32 = tpu.memref_slice %arg7[%add3A_19, %dma_wait3A_31] : memref<80x128xi32, #tpu.memory_space<vmem>> -> memref<1x128xi32, #tpu.memory_space<vmem>>
      %dma_wait3A_33 = tpu.memref_squeeze %dma_wait3A_32 : memref<1x128xi32, #tpu.memory_space<vmem>> -> memref<128xi32, #tpu.memory_space<vmem>>
      %dma_wait3A_34 = arith.constant 0 : i32
      %dma_wait3A_35 = arith.constant 0 : i32
      %dma_wait3A_36 = tpu.memref_slice %arg11[%dma_wait3A_34, %dma_wait3A_35] : memref<10112x64xf32, #tpu.memory_space<vmem_shared>> -> memref<10112x64xf32, #tpu.memory_space<vmem_shared>>
      tpu.wait_indirect_dma semaphore(%arg13 : memref<!tpu.dma_semaphore, #tpu.memory_space<semaphore_mem>>) src(%dma_wait3A_36 : memref<10112x64xf32, #tpu.memory_space<vmem_shared>>) dst(%arg10 : memref<128x64xf32, #tpu.memory_space<vmem>>)
      %add3A_37 = arith.constant 1 : i32
      %add3A_38 = arith.addi %add3A_19, %add3A_37 : i32
      %lt3A = arith.constant 80 : i32
      %lt3A_39 = arith.cmpi slt, %add3A_38, %lt3A : i32
      %convert_element_type3A = arith.extui %lt3A_39 : i1 to i32
      %cond3A = arith.constant 0 : i32
      %cond3A_40 = arith.cmpi ne, %convert_element_type3A, %cond3A : i32
      scf.if %cond3A_40 {
        %add3A_41 = arith.constant 1 : i32
        %add3A_42 = arith.addi %add3A_19, %add3A_41 : i32
        %dma_start3A_43 = arith.constant 0 : i32
        %dma_start3A_44 = tpu.memref_slice %arg7[%add3A_42, %dma_start3A_43] : memref<80x128xi32, #tpu.memory_space<vmem>> -> memref<1x128xi32, #tpu.memory_space<vmem>>
        %dma_start3A_45 = tpu.memref_squeeze %dma_start3A_44 : memref<1x128xi32, #tpu.memory_space<vmem>> -> memref<128xi32, #tpu.memory_space<vmem>>
        %dma_start3A_46 = arith.constant 0 : i32
        %dma_start3A_47 = arith.constant 0 : i32
        %dma_start3A_48 = tpu.memref_slice %arg11[%dma_start3A_46, %dma_start3A_47] : memref<10112x64xf32, #tpu.memory_space<vmem_shared>> -> memref<10112x64xf32, #tpu.memory_space<vmem_shared>>
        tpu.enqueue_indirect_dma source(%dma_start3A_48 : memref<10112x64xf32, #tpu.memory_space<vmem_shared>>) target(%arg9 : memref<128x64xf32, #tpu.memory_space<vmem>>) offsets(%dma_start3A_45 : memref<128xi32, #tpu.memory_space<vmem>>) semaphore(%arg13 : memref<!tpu.dma_semaphore, #tpu.memory_space<semaphore_mem>>)
      } else {
      }
      "tpu.region"() ({
        %run_scoped3A = tpu.sem_alloc : memref<!tpu.dma_semaphore, #tpu.memory_space<semaphore_mem>>
        %dma_start3A_41 = arith.constant 0 : i32
        %dma_start3A_42 = tpu.memref_slice %arg8[%add3A_19, %dma_start3A_41] : memref<80x128xi32, #tpu.memory_space<vmem>> -> memref<1x128xi32, #tpu.memory_space<vmem>>
        %dma_start3A_43 = tpu.memref_squeeze %dma_start3A_42 : memref<1x128xi32, #tpu.memory_space<vmem>> -> memref<128xi32, #tpu.memory_space<vmem>>
        %dma_start3A_44 = arith.constant 0 : i32
        %dma_start3A_45 = arith.constant 0 : i32
        %dma_start3A_46 = tpu.memref_slice %arg12[%dma_start3A_44, %dma_start3A_45] : memref<10112x64xf32, #tpu.memory_space<vmem_shared>> -> memref<10112x64xf32, #tpu.memory_space<vmem_shared>>
        tpu.enqueue_indirect_dma source(%arg10 : memref<128x64xf32, #tpu.memory_space<vmem>>) target(%dma_start3A_46 : memref<10112x64xf32, #tpu.memory_space<vmem_shared>>) offsets(%dma_start3A_43 : memref<128xi32, #tpu.memory_space<vmem>>) semaphore(%run_scoped3A : memref<!tpu.dma_semaphore, #tpu.memory_space<semaphore_mem>>) {add = true}
        %dma_wait3A_47 = arith.constant 0 : i32
        %dma_wait3A_48 = tpu.memref_slice %arg8[%add3A_19, %dma_wait3A_47] : memref<80x128xi32, #tpu.memory_space<vmem>> -> memref<1x128xi32, #tpu.memory_space<vmem>>
        %dma_wait3A_49 = tpu.memref_squeeze %dma_wait3A_48 : memref<1x128xi32, #tpu.memory_space<vmem>> -> memref<128xi32, #tpu.memory_space<vmem>>
        %dma_wait3A_50 = arith.constant 0 : i32
        %dma_wait3A_51 = arith.constant 0 : i32
        %dma_wait3A_52 = tpu.memref_slice %arg12[%dma_wait3A_50, %dma_wait3A_51] : memref<10112x64xf32, #tpu.memory_space<vmem_shared>> -> memref<10112x64xf32, #tpu.memory_space<vmem_shared>>
        tpu.wait_indirect_dma semaphore(%run_scoped3A : memref<!tpu.dma_semaphore, #tpu.memory_space<semaphore_mem>>) src(%arg10 : memref<128x64xf32, #tpu.memory_space<vmem>>) dst(%dma_wait3A_52 : memref<10112x64xf32, #tpu.memory_space<vmem_shared>>)
        tpu.yield
      }) : () -> ()
    }
    %scan3A_13 = arith.constant 40 : i32
    %barrier3A_14 = arith.constant 0 : index
    tpu.barrier barrier_id(%barrier3A_14)
    "tpu.region"() ({
      %run_scoped3A = tpu.sem_alloc : memref<!tpu.dma_semaphore, #tpu.memory_space<semaphore_mem>>
      %dma_start3A_15 = arith.constant 0 : i32
      %dma_start3A_16 = tpu.memref_slice %arg6[%arg0, %mul3A_2, %dma_start3A_15] : memref<2x10112x64xf32, #tpu.memory_space<hbm>> -> memref<1x632x64xf32, #tpu.memory_space<hbm>>
      %dma_start3A_17 = tpu.memref_squeeze %dma_start3A_16 : memref<1x632x64xf32, #tpu.memory_space<hbm>> -> memref<632x64xf32, #tpu.memory_space<hbm>>
      %dma_start3A_18 = arith.constant 0 : i32
      %dma_start3A_19 = tpu.memref_slice %arg12[%mul3A_2, %dma_start3A_18] : memref<10112x64xf32, #tpu.memory_space<vmem_shared>> -> memref<632x64xf32, #tpu.memory_space<vmem_shared>>
      tpu.enqueue_dma source(%dma_start3A_19 : memref<632x64xf32, #tpu.memory_space<vmem_shared>>) target(%dma_start3A_17 : memref<632x64xf32, #tpu.memory_space<hbm>>) target_semaphore(%run_scoped3A : memref<!tpu.dma_semaphore, #tpu.memory_space<semaphore_mem>>)
      %dma_wait3A = arith.constant 0 : i32
      %dma_wait3A_20 = tpu.memref_slice %arg6[%arg0, %mul3A_2, %dma_wait3A] : memref<2x10112x64xf32, #tpu.memory_space<hbm>> -> memref<1x632x64xf32, #tpu.memory_space<hbm>>
      %dma_wait3A_21 = tpu.memref_squeeze %dma_wait3A_20 : memref<1x632x64xf32, #tpu.memory_space<hbm>> -> memref<632x64xf32, #tpu.memory_space<hbm>>
      %dma_wait3A_22 = arith.constant 0 : i32
      %dma_wait3A_23 = tpu.memref_slice %arg12[%mul3A_2, %dma_wait3A_22] : memref<10112x64xf32, #tpu.memory_space<vmem_shared>> -> memref<632x64xf32, #tpu.memory_space<vmem_shared>>
      tpu.wait_dma2 semaphore(%run_scoped3A : memref<!tpu.dma_semaphore, #tpu.memory_space<semaphore_mem>>) src(%dma_wait3A_23 : memref<632x64xf32, #tpu.memory_space<vmem_shared>>) dst(%dma_wait3A_21 : memref<632x64xf32, #tpu.memory_space<hbm>>)
      tpu.yield
    }) : () -> ()
    return
  }
}

#map = affine_map<(d0, d1) -> (0, 0, 0)>
#map1 = affine_map<(d0, d1) -> (0, 0)>
module attributes {stable_mosaic.version = 14 : i64} {
  func.func @deg_kernel(%arg0: i32, %arg1: i32, %arg2: memref<32x80x128xi32, #tpu.memory_space<hbm>>, %arg3: memref<128x16xf32, #tpu.memory_space<hbm>>, %arg4: memref<10112x16xf32, #tpu.memory_space<hbm>>, %arg5: memref<2x10112x16xf32, #tpu.memory_space<hbm>>, %arg6: memref<80x128xi32, #tpu.memory_space<vmem>>, %arg7: memref<128x16xf32, #tpu.memory_space<vmem>>, %arg8: memref<10112x16xf32, #tpu.memory_space<vmem_shared>>, %arg9: memref<!tpu.dma_semaphore, #tpu.memory_space<semaphore_mem>>) attributes {dimension_semantics = [#tpu.dimension_semantics<core_parallel>, #tpu.dimension_semantics<subcore_parallel>], iteration_bounds = array<i64: 2, 16>, scalar_prefetch = 0 : i64, scratch_operands = 4 : i64, tpu.core_type = #tpu.core_type<sc_vector_subcore>, window_params = [{transform_indices = #map}, {transform_indices = #map1}, {transform_indices = #map1}, {transform_indices = #map}]} {
    %mul3A = arith.constant 16 : i32
    %mul3A_0 = arith.muli %arg0, %mul3A : i32
    %add3A = arith.addi %mul3A_0, %arg1 : i32
    "tpu.region"() ({
      %run_scoped3A = tpu.sem_alloc : memref<!tpu.dma_semaphore, #tpu.memory_space<semaphore_mem>>
      %dma_start3A = arith.constant 0 : i32
      %dma_start3A_9 = arith.constant 0 : i32
      %dma_start3A_10 = tpu.memref_slice %arg2[%add3A, %dma_start3A, %dma_start3A_9] : memref<32x80x128xi32, #tpu.memory_space<hbm>> -> memref<1x80x128xi32, #tpu.memory_space<hbm>>
      %dma_start3A_11 = tpu.memref_squeeze %dma_start3A_10 : memref<1x80x128xi32, #tpu.memory_space<hbm>> -> memref<80x128xi32, #tpu.memory_space<hbm>>
      %dma_start3A_12 = arith.constant 0 : i32
      %dma_start3A_13 = arith.constant 0 : i32
      %dma_start3A_14 = tpu.memref_slice %arg2[%add3A, %dma_start3A_12, %dma_start3A_13] : memref<32x80x128xi32, #tpu.memory_space<hbm>> -> memref<1x80x128xi32, #tpu.memory_space<hbm>>
      %dma_start3A_15 = tpu.memref_squeeze %dma_start3A_14 : memref<1x80x128xi32, #tpu.memory_space<hbm>> -> memref<80x128xi32, #tpu.memory_space<hbm>>
      tpu.enqueue_dma source(%dma_start3A_15 : memref<80x128xi32, #tpu.memory_space<hbm>>) target(%arg6 : memref<80x128xi32, #tpu.memory_space<vmem>>) target_semaphore(%run_scoped3A : memref<!tpu.dma_semaphore, #tpu.memory_space<semaphore_mem>>)
      %dma_wait3A = arith.constant 0 : i32
      %dma_wait3A_16 = arith.constant 0 : i32
      %dma_wait3A_17 = tpu.memref_slice %arg2[%add3A, %dma_wait3A, %dma_wait3A_16] : memref<32x80x128xi32, #tpu.memory_space<hbm>> -> memref<1x80x128xi32, #tpu.memory_space<hbm>>
      %dma_wait3A_18 = tpu.memref_squeeze %dma_wait3A_17 : memref<1x80x128xi32, #tpu.memory_space<hbm>> -> memref<80x128xi32, #tpu.memory_space<hbm>>
      %dma_wait3A_19 = arith.constant 0 : i32
      %dma_wait3A_20 = arith.constant 0 : i32
      %dma_wait3A_21 = tpu.memref_slice %arg2[%add3A, %dma_wait3A_19, %dma_wait3A_20] : memref<32x80x128xi32, #tpu.memory_space<hbm>> -> memref<1x80x128xi32, #tpu.memory_space<hbm>>
      %dma_wait3A_22 = tpu.memref_squeeze %dma_wait3A_21 : memref<1x80x128xi32, #tpu.memory_space<hbm>> -> memref<80x128xi32, #tpu.memory_space<hbm>>
      tpu.wait_dma2 semaphore(%run_scoped3A : memref<!tpu.dma_semaphore, #tpu.memory_space<semaphore_mem>>) src(%dma_wait3A_22 : memref<80x128xi32, #tpu.memory_space<hbm>>) dst(%arg6 : memref<80x128xi32, #tpu.memory_space<vmem>>)
      tpu.yield
    }) : () -> ()
    "tpu.region"() ({
      %run_scoped3A = tpu.sem_alloc : memref<!tpu.dma_semaphore, #tpu.memory_space<semaphore_mem>>
      tpu.enqueue_dma source(%arg3 : memref<128x16xf32, #tpu.memory_space<hbm>>) target(%arg7 : memref<128x16xf32, #tpu.memory_space<vmem>>) target_semaphore(%run_scoped3A : memref<!tpu.dma_semaphore, #tpu.memory_space<semaphore_mem>>)
      tpu.wait_dma2 semaphore(%run_scoped3A : memref<!tpu.dma_semaphore, #tpu.memory_space<semaphore_mem>>) src(%arg3 : memref<128x16xf32, #tpu.memory_space<hbm>>) dst(%arg7 : memref<128x16xf32, #tpu.memory_space<vmem>>)
      tpu.yield
    }) : () -> ()
    %mul3A_1 = arith.constant 632 : i32
    %mul3A_2 = arith.muli %arg1, %mul3A_1 : i32
    "tpu.region"() ({
      %run_scoped3A = tpu.sem_alloc : memref<!tpu.dma_semaphore, #tpu.memory_space<semaphore_mem>>
      %dma_start3A = arith.constant 0 : i32
      %dma_start3A_9 = tpu.memref_slice %arg8[%mul3A_2, %dma_start3A] : memref<10112x16xf32, #tpu.memory_space<vmem_shared>> -> memref<632x16xf32, #tpu.memory_space<vmem_shared>>
      %dma_start3A_10 = arith.constant 0 : i32
      %dma_start3A_11 = tpu.memref_slice %arg4[%mul3A_2, %dma_start3A_10] : memref<10112x16xf32, #tpu.memory_space<hbm>> -> memref<632x16xf32, #tpu.memory_space<hbm>>
      tpu.enqueue_dma source(%dma_start3A_11 : memref<632x16xf32, #tpu.memory_space<hbm>>) target(%dma_start3A_9 : memref<632x16xf32, #tpu.memory_space<vmem_shared>>) target_semaphore(%run_scoped3A : memref<!tpu.dma_semaphore, #tpu.memory_space<semaphore_mem>>)
      %dma_wait3A = arith.constant 0 : i32
      %dma_wait3A_12 = tpu.memref_slice %arg8[%mul3A_2, %dma_wait3A] : memref<10112x16xf32, #tpu.memory_space<vmem_shared>> -> memref<632x16xf32, #tpu.memory_space<vmem_shared>>
      %dma_wait3A_13 = arith.constant 0 : i32
      %dma_wait3A_14 = tpu.memref_slice %arg4[%mul3A_2, %dma_wait3A_13] : memref<10112x16xf32, #tpu.memory_space<hbm>> -> memref<632x16xf32, #tpu.memory_space<hbm>>
      tpu.wait_dma2 semaphore(%run_scoped3A : memref<!tpu.dma_semaphore, #tpu.memory_space<semaphore_mem>>) src(%dma_wait3A_14 : memref<632x16xf32, #tpu.memory_space<hbm>>) dst(%dma_wait3A_12 : memref<632x16xf32, #tpu.memory_space<vmem_shared>>)
      tpu.yield
    }) : () -> ()
    %barrier3A = arith.constant 0 : index
    tpu.barrier barrier_id(%barrier3A)
    %scan3A = arith.constant 0 : i32
    %scan3A_3 = arith.constant 0 : i32
    %scan3A_4 = arith.constant 40 : i32
    %scan3A_5 = arith.addi %scan3A_3, %scan3A_4 : i32
    %scan3A_6 = arith.constant 1 : i32
    scf.for %scan3A_9 = %scan3A_3 to %scan3A_5 step %scan3A_6  : i32 {
      %mul3A_10 = arith.constant 2 : i32
      %mul3A_11 = arith.muli %mul3A_10, %scan3A_9 : i32
      %add3A_12 = arith.constant 1 : i32
      %add3A_13 = arith.addi %mul3A_11, %add3A_12 : i32
      %dma_start3A = arith.constant 0 : i32
      %dma_start3A_14 = tpu.memref_slice %arg6[%mul3A_11, %dma_start3A] : memref<80x128xi32, #tpu.memory_space<vmem>> -> memref<1x128xi32, #tpu.memory_space<vmem>>
      %dma_start3A_15 = tpu.memref_squeeze %dma_start3A_14 : memref<1x128xi32, #tpu.memory_space<vmem>> -> memref<128xi32, #tpu.memory_space<vmem>>
      %dma_start3A_16 = arith.constant 0 : i32
      %dma_start3A_17 = arith.constant 0 : i32
      %dma_start3A_18 = tpu.memref_slice %arg8[%dma_start3A_16, %dma_start3A_17] : memref<10112x16xf32, #tpu.memory_space<vmem_shared>> -> memref<10112x16xf32, #tpu.memory_space<vmem_shared>>
      tpu.enqueue_indirect_dma source(%arg7 : memref<128x16xf32, #tpu.memory_space<vmem>>) target(%dma_start3A_18 : memref<10112x16xf32, #tpu.memory_space<vmem_shared>>) offsets(%dma_start3A_15 : memref<128xi32, #tpu.memory_space<vmem>>) semaphore(%arg9 : memref<!tpu.dma_semaphore, #tpu.memory_space<semaphore_mem>>) {add = true}
      %dma_start3A_19 = arith.constant 0 : i32
      %dma_start3A_20 = tpu.memref_slice %arg6[%add3A_13, %dma_start3A_19] : memref<80x128xi32, #tpu.memory_space<vmem>> -> memref<1x128xi32, #tpu.memory_space<vmem>>
      %dma_start3A_21 = tpu.memref_squeeze %dma_start3A_20 : memref<1x128xi32, #tpu.memory_space<vmem>> -> memref<128xi32, #tpu.memory_space<vmem>>
      %dma_start3A_22 = arith.constant 0 : i32
      %dma_start3A_23 = arith.constant 0 : i32
      %dma_start3A_24 = tpu.memref_slice %arg8[%dma_start3A_22, %dma_start3A_23] : memref<10112x16xf32, #tpu.memory_space<vmem_shared>> -> memref<10112x16xf32, #tpu.memory_space<vmem_shared>>
      tpu.enqueue_indirect_dma source(%arg7 : memref<128x16xf32, #tpu.memory_space<vmem>>) target(%dma_start3A_24 : memref<10112x16xf32, #tpu.memory_space<vmem_shared>>) offsets(%dma_start3A_21 : memref<128xi32, #tpu.memory_space<vmem>>) semaphore(%arg9 : memref<!tpu.dma_semaphore, #tpu.memory_space<semaphore_mem>>) {add = true}
      %dma_wait3A = arith.constant 0 : i32
      %dma_wait3A_25 = tpu.memref_slice %arg6[%mul3A_11, %dma_wait3A] : memref<80x128xi32, #tpu.memory_space<vmem>> -> memref<1x128xi32, #tpu.memory_space<vmem>>
      %dma_wait3A_26 = tpu.memref_squeeze %dma_wait3A_25 : memref<1x128xi32, #tpu.memory_space<vmem>> -> memref<128xi32, #tpu.memory_space<vmem>>
      %dma_wait3A_27 = arith.constant 0 : i32
      %dma_wait3A_28 = arith.constant 0 : i32
      %dma_wait3A_29 = tpu.memref_slice %arg8[%dma_wait3A_27, %dma_wait3A_28] : memref<10112x16xf32, #tpu.memory_space<vmem_shared>> -> memref<10112x16xf32, #tpu.memory_space<vmem_shared>>
      tpu.wait_indirect_dma semaphore(%arg9 : memref<!tpu.dma_semaphore, #tpu.memory_space<semaphore_mem>>) src(%arg7 : memref<128x16xf32, #tpu.memory_space<vmem>>) dst(%dma_wait3A_29 : memref<10112x16xf32, #tpu.memory_space<vmem_shared>>)
      %dma_wait3A_30 = arith.constant 0 : i32
      %dma_wait3A_31 = tpu.memref_slice %arg6[%add3A_13, %dma_wait3A_30] : memref<80x128xi32, #tpu.memory_space<vmem>> -> memref<1x128xi32, #tpu.memory_space<vmem>>
      %dma_wait3A_32 = tpu.memref_squeeze %dma_wait3A_31 : memref<1x128xi32, #tpu.memory_space<vmem>> -> memref<128xi32, #tpu.memory_space<vmem>>
      %dma_wait3A_33 = arith.constant 0 : i32
      %dma_wait3A_34 = arith.constant 0 : i32
      %dma_wait3A_35 = tpu.memref_slice %arg8[%dma_wait3A_33, %dma_wait3A_34] : memref<10112x16xf32, #tpu.memory_space<vmem_shared>> -> memref<10112x16xf32, #tpu.memory_space<vmem_shared>>
      tpu.wait_indirect_dma semaphore(%arg9 : memref<!tpu.dma_semaphore, #tpu.memory_space<semaphore_mem>>) src(%arg7 : memref<128x16xf32, #tpu.memory_space<vmem>>) dst(%dma_wait3A_35 : memref<10112x16xf32, #tpu.memory_space<vmem_shared>>)
    }
    %scan3A_7 = arith.constant 40 : i32
    %barrier3A_8 = arith.constant 0 : index
    tpu.barrier barrier_id(%barrier3A_8)
    "tpu.region"() ({
      %run_scoped3A = tpu.sem_alloc : memref<!tpu.dma_semaphore, #tpu.memory_space<semaphore_mem>>
      %dma_start3A = arith.constant 0 : i32
      %dma_start3A_9 = tpu.memref_slice %arg5[%arg0, %mul3A_2, %dma_start3A] : memref<2x10112x16xf32, #tpu.memory_space<hbm>> -> memref<1x632x16xf32, #tpu.memory_space<hbm>>
      %dma_start3A_10 = tpu.memref_squeeze %dma_start3A_9 : memref<1x632x16xf32, #tpu.memory_space<hbm>> -> memref<632x16xf32, #tpu.memory_space<hbm>>
      %dma_start3A_11 = arith.constant 0 : i32
      %dma_start3A_12 = tpu.memref_slice %arg8[%mul3A_2, %dma_start3A_11] : memref<10112x16xf32, #tpu.memory_space<vmem_shared>> -> memref<632x16xf32, #tpu.memory_space<vmem_shared>>
      tpu.enqueue_dma source(%dma_start3A_12 : memref<632x16xf32, #tpu.memory_space<vmem_shared>>) target(%dma_start3A_10 : memref<632x16xf32, #tpu.memory_space<hbm>>) target_semaphore(%run_scoped3A : memref<!tpu.dma_semaphore, #tpu.memory_space<semaphore_mem>>)
      %dma_wait3A = arith.constant 0 : i32
      %dma_wait3A_13 = tpu.memref_slice %arg5[%arg0, %mul3A_2, %dma_wait3A] : memref<2x10112x16xf32, #tpu.memory_space<hbm>> -> memref<1x632x16xf32, #tpu.memory_space<hbm>>
      %dma_wait3A_14 = tpu.memref_squeeze %dma_wait3A_13 : memref<1x632x16xf32, #tpu.memory_space<hbm>> -> memref<632x16xf32, #tpu.memory_space<hbm>>
      %dma_wait3A_15 = arith.constant 0 : i32
      %dma_wait3A_16 = tpu.memref_slice %arg8[%mul3A_2, %dma_wait3A_15] : memref<10112x16xf32, #tpu.memory_space<vmem_shared>> -> memref<632x16xf32, #tpu.memory_space<vmem_shared>>
      tpu.wait_dma2 semaphore(%run_scoped3A : memref<!tpu.dma_semaphore, #tpu.memory_space<semaphore_mem>>) src(%dma_wait3A_16 : memref<632x16xf32, #tpu.memory_space<vmem_shared>>) dst(%dma_wait3A_14 : memref<632x16xf32, #tpu.memory_space<hbm>>)
      tpu.yield
    }) : () -> ()
    return
  }
}

#map = affine_map<(d0, d1) -> (0, 0)>
#map1 = affine_map<(d0, d1) -> (0, 0, 0)>
module attributes {stable_mosaic.version = 14 : i64} {
  func.func @prop_kernel(%arg0: i32, %arg1: i32, %arg2: memref<10112x64xf32, #tpu.memory_space<hbm>>, %arg3: memref<32x80x128xi32, #tpu.memory_space<hbm>>, %arg4: memref<32x80x128xi32, #tpu.memory_space<hbm>>, %arg5: memref<10112x64xf32, #tpu.memory_space<hbm>>, %arg6: memref<2x10112x64xf32, #tpu.memory_space<hbm>>, %arg7: memref<80x128xi32, #tpu.memory_space<vmem>>, %arg8: memref<80x128xi32, #tpu.memory_space<vmem>>, %arg9: memref<128x64xf32, #tpu.memory_space<vmem>>, %arg10: memref<128x64xf32, #tpu.memory_space<vmem>>, %arg11: memref<10112x64xf32, #tpu.memory_space<vmem_shared>>, %arg12: memref<10112x64xf32, #tpu.memory_space<vmem_shared>>, %arg13: memref<!tpu.dma_semaphore, #tpu.memory_space<semaphore_mem>>) attributes {dimension_semantics = [#tpu.dimension_semantics<core_parallel>, #tpu.dimension_semantics<subcore_parallel>], iteration_bounds = array<i64: 2, 16>, scalar_prefetch = 0 : i64, scratch_operands = 7 : i64, tpu.core_type = #tpu.core_type<sc_vector_subcore>, window_params = [{transform_indices = #map}, {transform_indices = #map1}, {transform_indices = #map1}, {transform_indices = #map}, {transform_indices = #map1}]} {
    %mul3A = arith.constant 16 : i32
    %mul3A_0 = arith.muli %arg0, %mul3A : i32
    %add3A = arith.addi %mul3A_0, %arg1 : i32
    "tpu.region"() ({
      %run_scoped3A = tpu.sem_alloc : memref<!tpu.dma_semaphore, #tpu.memory_space<semaphore_mem>>
      %dma_start3A_15 = arith.constant 0 : i32
      %dma_start3A_16 = arith.constant 0 : i32
      %dma_start3A_17 = tpu.memref_slice %arg3[%add3A, %dma_start3A_15, %dma_start3A_16] : memref<32x80x128xi32, #tpu.memory_space<hbm>> -> memref<1x80x128xi32, #tpu.memory_space<hbm>>
      %dma_start3A_18 = tpu.memref_squeeze %dma_start3A_17 : memref<1x80x128xi32, #tpu.memory_space<hbm>> -> memref<80x128xi32, #tpu.memory_space<hbm>>
      %dma_start3A_19 = arith.constant 0 : i32
      %dma_start3A_20 = arith.constant 0 : i32
      %dma_start3A_21 = tpu.memref_slice %arg3[%add3A, %dma_start3A_19, %dma_start3A_20] : memref<32x80x128xi32, #tpu.memory_space<hbm>> -> memref<1x80x128xi32, #tpu.memory_space<hbm>>
      %dma_start3A_22 = tpu.memref_squeeze %dma_start3A_21 : memref<1x80x128xi32, #tpu.memory_space<hbm>> -> memref<80x128xi32, #tpu.memory_space<hbm>>
      tpu.enqueue_dma source(%dma_start3A_22 : memref<80x128xi32, #tpu.memory_space<hbm>>) target(%arg7 : memref<80x128xi32, #tpu.memory_space<vmem>>) target_semaphore(%run_scoped3A : memref<!tpu.dma_semaphore, #tpu.memory_space<semaphore_mem>>)
      %dma_wait3A = arith.constant 0 : i32
      %dma_wait3A_23 = arith.constant 0 : i32
      %dma_wait3A_24 = tpu.memref_slice %arg3[%add3A, %dma_wait3A, %dma_wait3A_23] : memref<32x80x128xi32, #tpu.memory_space<hbm>> -> memref<1x80x128xi32, #tpu.memory_space<hbm>>
      %dma_wait3A_25 = tpu.memref_squeeze %dma_wait3A_24 : memref<1x80x128xi32, #tpu.memory_space<hbm>> -> memref<80x128xi32, #tpu.memory_space<hbm>>
      %dma_wait3A_26 = arith.constant 0 : i32
      %dma_wait3A_27 = arith.constant 0 : i32
      %dma_wait3A_28 = tpu.memref_slice %arg3[%add3A, %dma_wait3A_26, %dma_wait3A_27] : memref<32x80x128xi32, #tpu.memory_space<hbm>> -> memref<1x80x128xi32, #tpu.memory_space<hbm>>
      %dma_wait3A_29 = tpu.memref_squeeze %dma_wait3A_28 : memref<1x80x128xi32, #tpu.memory_space<hbm>> -> memref<80x128xi32, #tpu.memory_space<hbm>>
      tpu.wait_dma2 semaphore(%run_scoped3A : memref<!tpu.dma_semaphore, #tpu.memory_space<semaphore_mem>>) src(%dma_wait3A_29 : memref<80x128xi32, #tpu.memory_space<hbm>>) dst(%arg7 : memref<80x128xi32, #tpu.memory_space<vmem>>)
      tpu.yield
    }) : () -> ()
    "tpu.region"() ({
      %run_scoped3A = tpu.sem_alloc : memref<!tpu.dma_semaphore, #tpu.memory_space<semaphore_mem>>
      %dma_start3A_15 = arith.constant 0 : i32
      %dma_start3A_16 = arith.constant 0 : i32
      %dma_start3A_17 = tpu.memref_slice %arg4[%add3A, %dma_start3A_15, %dma_start3A_16] : memref<32x80x128xi32, #tpu.memory_space<hbm>> -> memref<1x80x128xi32, #tpu.memory_space<hbm>>
      %dma_start3A_18 = tpu.memref_squeeze %dma_start3A_17 : memref<1x80x128xi32, #tpu.memory_space<hbm>> -> memref<80x128xi32, #tpu.memory_space<hbm>>
      %dma_start3A_19 = arith.constant 0 : i32
      %dma_start3A_20 = arith.constant 0 : i32
      %dma_start3A_21 = tpu.memref_slice %arg4[%add3A, %dma_start3A_19, %dma_start3A_20] : memref<32x80x128xi32, #tpu.memory_space<hbm>> -> memref<1x80x128xi32, #tpu.memory_space<hbm>>
      %dma_start3A_22 = tpu.memref_squeeze %dma_start3A_21 : memref<1x80x128xi32, #tpu.memory_space<hbm>> -> memref<80x128xi32, #tpu.memory_space<hbm>>
      tpu.enqueue_dma source(%dma_start3A_22 : memref<80x128xi32, #tpu.memory_space<hbm>>) target(%arg8 : memref<80x128xi32, #tpu.memory_space<vmem>>) target_semaphore(%run_scoped3A : memref<!tpu.dma_semaphore, #tpu.memory_space<semaphore_mem>>)
      %dma_wait3A = arith.constant 0 : i32
      %dma_wait3A_23 = arith.constant 0 : i32
      %dma_wait3A_24 = tpu.memref_slice %arg4[%add3A, %dma_wait3A, %dma_wait3A_23] : memref<32x80x128xi32, #tpu.memory_space<hbm>> -> memref<1x80x128xi32, #tpu.memory_space<hbm>>
      %dma_wait3A_25 = tpu.memref_squeeze %dma_wait3A_24 : memref<1x80x128xi32, #tpu.memory_space<hbm>> -> memref<80x128xi32, #tpu.memory_space<hbm>>
      %dma_wait3A_26 = arith.constant 0 : i32
      %dma_wait3A_27 = arith.constant 0 : i32
      %dma_wait3A_28 = tpu.memref_slice %arg4[%add3A, %dma_wait3A_26, %dma_wait3A_27] : memref<32x80x128xi32, #tpu.memory_space<hbm>> -> memref<1x80x128xi32, #tpu.memory_space<hbm>>
      %dma_wait3A_29 = tpu.memref_squeeze %dma_wait3A_28 : memref<1x80x128xi32, #tpu.memory_space<hbm>> -> memref<80x128xi32, #tpu.memory_space<hbm>>
      tpu.wait_dma2 semaphore(%run_scoped3A : memref<!tpu.dma_semaphore, #tpu.memory_space<semaphore_mem>>) src(%dma_wait3A_29 : memref<80x128xi32, #tpu.memory_space<hbm>>) dst(%arg8 : memref<80x128xi32, #tpu.memory_space<vmem>>)
      tpu.yield
    }) : () -> ()
    %mul3A_1 = arith.constant 632 : i32
    %mul3A_2 = arith.muli %arg1, %mul3A_1 : i32
    "tpu.region"() ({
      %run_scoped3A = tpu.sem_alloc : memref<!tpu.dma_semaphore, #tpu.memory_space<semaphore_mem>>
      %dma_start3A_15 = arith.constant 0 : i32
      %dma_start3A_16 = tpu.memref_slice %arg11[%mul3A_2, %dma_start3A_15] : memref<10112x64xf32, #tpu.memory_space<vmem_shared>> -> memref<632x64xf32, #tpu.memory_space<vmem_shared>>
      %dma_start3A_17 = arith.constant 0 : i32
      %dma_start3A_18 = tpu.memref_slice %arg2[%mul3A_2, %dma_start3A_17] : memref<10112x64xf32, #tpu.memory_space<hbm>> -> memref<632x64xf32, #tpu.memory_space<hbm>>
      tpu.enqueue_dma source(%dma_start3A_18 : memref<632x64xf32, #tpu.memory_space<hbm>>) target(%dma_start3A_16 : memref<632x64xf32, #tpu.memory_space<vmem_shared>>) target_semaphore(%run_scoped3A : memref<!tpu.dma_semaphore, #tpu.memory_space<semaphore_mem>>)
      %dma_wait3A = arith.constant 0 : i32
      %dma_wait3A_19 = tpu.memref_slice %arg11[%mul3A_2, %dma_wait3A] : memref<10112x64xf32, #tpu.memory_space<vmem_shared>> -> memref<632x64xf32, #tpu.memory_space<vmem_shared>>
      %dma_wait3A_20 = arith.constant 0 : i32
      %dma_wait3A_21 = tpu.memref_slice %arg2[%mul3A_2, %dma_wait3A_20] : memref<10112x64xf32, #tpu.memory_space<hbm>> -> memref<632x64xf32, #tpu.memory_space<hbm>>
      tpu.wait_dma2 semaphore(%run_scoped3A : memref<!tpu.dma_semaphore, #tpu.memory_space<semaphore_mem>>) src(%dma_wait3A_21 : memref<632x64xf32, #tpu.memory_space<hbm>>) dst(%dma_wait3A_19 : memref<632x64xf32, #tpu.memory_space<vmem_shared>>)
      tpu.yield
    }) : () -> ()
    "tpu.region"() ({
      %run_scoped3A = tpu.sem_alloc : memref<!tpu.dma_semaphore, #tpu.memory_space<semaphore_mem>>
      %dma_start3A_15 = arith.constant 0 : i32
      %dma_start3A_16 = tpu.memref_slice %arg12[%mul3A_2, %dma_start3A_15] : memref<10112x64xf32, #tpu.memory_space<vmem_shared>> -> memref<632x64xf32, #tpu.memory_space<vmem_shared>>
      %dma_start3A_17 = arith.constant 0 : i32
      %dma_start3A_18 = tpu.memref_slice %arg5[%mul3A_2, %dma_start3A_17] : memref<10112x64xf32, #tpu.memory_space<hbm>> -> memref<632x64xf32, #tpu.memory_space<hbm>>
      tpu.enqueue_dma source(%dma_start3A_18 : memref<632x64xf32, #tpu.memory_space<hbm>>) target(%dma_start3A_16 : memref<632x64xf32, #tpu.memory_space<vmem_shared>>) target_semaphore(%run_scoped3A : memref<!tpu.dma_semaphore, #tpu.memory_space<semaphore_mem>>)
      %dma_wait3A = arith.constant 0 : i32
      %dma_wait3A_19 = tpu.memref_slice %arg12[%mul3A_2, %dma_wait3A] : memref<10112x64xf32, #tpu.memory_space<vmem_shared>> -> memref<632x64xf32, #tpu.memory_space<vmem_shared>>
      %dma_wait3A_20 = arith.constant 0 : i32
      %dma_wait3A_21 = tpu.memref_slice %arg5[%mul3A_2, %dma_wait3A_20] : memref<10112x64xf32, #tpu.memory_space<hbm>> -> memref<632x64xf32, #tpu.memory_space<hbm>>
      tpu.wait_dma2 semaphore(%run_scoped3A : memref<!tpu.dma_semaphore, #tpu.memory_space<semaphore_mem>>) src(%dma_wait3A_21 : memref<632x64xf32, #tpu.memory_space<hbm>>) dst(%dma_wait3A_19 : memref<632x64xf32, #tpu.memory_space<vmem_shared>>)
      tpu.yield
    }) : () -> ()
    %barrier3A = arith.constant 0 : index
    tpu.barrier barrier_id(%barrier3A)
    %dma_start3A = arith.constant 0 : i32
    %dma_start3A_3 = arith.constant 0 : i32
    %dma_start3A_4 = tpu.memref_slice %arg7[%dma_start3A, %dma_start3A_3] : memref<80x128xi32, #tpu.memory_space<vmem>> -> memref<1x128xi32, #tpu.memory_space<vmem>>
    %dma_start3A_5 = tpu.memref_squeeze %dma_start3A_4 : memref<1x128xi32, #tpu.memory_space<vmem>> -> memref<128xi32, #tpu.memory_space<vmem>>
    %dma_start3A_6 = arith.constant 0 : i32
    %dma_start3A_7 = arith.constant 0 : i32
    %dma_start3A_8 = tpu.memref_slice %arg11[%dma_start3A_6, %dma_start3A_7] : memref<10112x64xf32, #tpu.memory_space<vmem_shared>> -> memref<10112x64xf32, #tpu.memory_space<vmem_shared>>
    tpu.enqueue_indirect_dma source(%dma_start3A_8 : memref<10112x64xf32, #tpu.memory_space<vmem_shared>>) target(%arg9 : memref<128x64xf32, #tpu.memory_space<vmem>>) offsets(%dma_start3A_5 : memref<128xi32, #tpu.memory_space<vmem>>) semaphore(%arg13 : memref<!tpu.dma_semaphore, #tpu.memory_space<semaphore_mem>>)
    %scan3A = arith.constant 0 : i32
    %scan3A_9 = arith.constant 0 : i32
    %scan3A_10 = arith.constant 40 : i32
    %scan3A_11 = arith.addi %scan3A_9, %scan3A_10 : i32
    %scan3A_12 = arith.constant 1 : i32
    scf.for %scan3A_15 = %scan3A_9 to %scan3A_11 step %scan3A_12  : i32 {
      %mul3A_16 = arith.constant 2 : i32
      %mul3A_17 = arith.muli %mul3A_16, %scan3A_15 : i32
      %add3A_18 = arith.constant 1 : i32
      %add3A_19 = arith.addi %mul3A_17, %add3A_18 : i32
      %dma_wait3A = arith.constant 0 : i32
      %dma_wait3A_20 = tpu.memref_slice %arg7[%mul3A_17, %dma_wait3A] : memref<80x128xi32, #tpu.memory_space<vmem>> -> memref<1x128xi32, #tpu.memory_space<vmem>>
      %dma_wait3A_21 = tpu.memref_squeeze %dma_wait3A_20 : memref<1x128xi32, #tpu.memory_space<vmem>> -> memref<128xi32, #tpu.memory_space<vmem>>
      %dma_wait3A_22 = arith.constant 0 : i32
      %dma_wait3A_23 = arith.constant 0 : i32
      %dma_wait3A_24 = tpu.memref_slice %arg11[%dma_wait3A_22, %dma_wait3A_23] : memref<10112x64xf32, #tpu.memory_space<vmem_shared>> -> memref<10112x64xf32, #tpu.memory_space<vmem_shared>>
      tpu.wait_indirect_dma semaphore(%arg13 : memref<!tpu.dma_semaphore, #tpu.memory_space<semaphore_mem>>) src(%dma_wait3A_24 : memref<10112x64xf32, #tpu.memory_space<vmem_shared>>) dst(%arg9 : memref<128x64xf32, #tpu.memory_space<vmem>>)
      %dma_start3A_25 = arith.constant 0 : i32
      %dma_start3A_26 = tpu.memref_slice %arg7[%add3A_19, %dma_start3A_25] : memref<80x128xi32, #tpu.memory_space<vmem>> -> memref<1x128xi32, #tpu.memory_space<vmem>>
      %dma_start3A_27 = tpu.memref_squeeze %dma_start3A_26 : memref<1x128xi32, #tpu.memory_space<vmem>> -> memref<128xi32, #tpu.memory_space<vmem>>
      %dma_start3A_28 = arith.constant 0 : i32
      %dma_start3A_29 = arith.constant 0 : i32
      %dma_start3A_30 = tpu.memref_slice %arg11[%dma_start3A_28, %dma_start3A_29] : memref<10112x64xf32, #tpu.memory_space<vmem_shared>> -> memref<10112x64xf32, #tpu.memory_space<vmem_shared>>
      tpu.enqueue_indirect_dma source(%dma_start3A_30 : memref<10112x64xf32, #tpu.memory_space<vmem_shared>>) target(%arg10 : memref<128x64xf32, #tpu.memory_space<vmem>>) offsets(%dma_start3A_27 : memref<128xi32, #tpu.memory_space<vmem>>) semaphore(%arg13 : memref<!tpu.dma_semaphore, #tpu.memory_space<semaphore_mem>>)
      "tpu.region"() ({
        %run_scoped3A = tpu.sem_alloc : memref<!tpu.dma_semaphore, #tpu.memory_space<semaphore_mem>>
        %dma_start3A_41 = arith.constant 0 : i32
        %dma_start3A_42 = tpu.memref_slice %arg8[%mul3A_17, %dma_start3A_41] : memref<80x128xi32, #tpu.memory_space<vmem>> -> memref<1x128xi32, #tpu.memory_space<vmem>>
        %dma_start3A_43 = tpu.memref_squeeze %dma_start3A_42 : memref<1x128xi32, #tpu.memory_space<vmem>> -> memref<128xi32, #tpu.memory_space<vmem>>
        %dma_start3A_44 = arith.constant 0 : i32
        %dma_start3A_45 = arith.constant 0 : i32
        %dma_start3A_46 = tpu.memref_slice %arg12[%dma_start3A_44, %dma_start3A_45] : memref<10112x64xf32, #tpu.memory_space<vmem_shared>> -> memref<10112x64xf32, #tpu.memory_space<vmem_shared>>
        tpu.enqueue_indirect_dma source(%arg9 : memref<128x64xf32, #tpu.memory_space<vmem>>) target(%dma_start3A_46 : memref<10112x64xf32, #tpu.memory_space<vmem_shared>>) offsets(%dma_start3A_43 : memref<128xi32, #tpu.memory_space<vmem>>) semaphore(%run_scoped3A : memref<!tpu.dma_semaphore, #tpu.memory_space<semaphore_mem>>) {add = true}
        %dma_wait3A_47 = arith.constant 0 : i32
        %dma_wait3A_48 = tpu.memref_slice %arg8[%mul3A_17, %dma_wait3A_47] : memref<80x128xi32, #tpu.memory_space<vmem>> -> memref<1x128xi32, #tpu.memory_space<vmem>>
        %dma_wait3A_49 = tpu.memref_squeeze %dma_wait3A_48 : memref<1x128xi32, #tpu.memory_space<vmem>> -> memref<128xi32, #tpu.memory_space<vmem>>
        %dma_wait3A_50 = arith.constant 0 : i32
        %dma_wait3A_51 = arith.constant 0 : i32
        %dma_wait3A_52 = tpu.memref_slice %arg12[%dma_wait3A_50, %dma_wait3A_51] : memref<10112x64xf32, #tpu.memory_space<vmem_shared>> -> memref<10112x64xf32, #tpu.memory_space<vmem_shared>>
        tpu.wait_indirect_dma semaphore(%run_scoped3A : memref<!tpu.dma_semaphore, #tpu.memory_space<semaphore_mem>>) src(%arg9 : memref<128x64xf32, #tpu.memory_space<vmem>>) dst(%dma_wait3A_52 : memref<10112x64xf32, #tpu.memory_space<vmem_shared>>)
        tpu.yield
      }) : () -> ()
      %dma_wait3A_31 = arith.constant 0 : i32
      %dma_wait3A_32 = tpu.memref_slice %arg7[%add3A_19, %dma_wait3A_31] : memref<80x128xi32, #tpu.memory_space<vmem>> -> memref<1x128xi32, #tpu.memory_space<vmem>>
      %dma_wait3A_33 = tpu.memref_squeeze %dma_wait3A_32 : memref<1x128xi32, #tpu.memory_space<vmem>> -> memref<128xi32, #tpu.memory_space<vmem>>
      %dma_wait3A_34 = arith.constant 0 : i32
      %dma_wait3A_35 = arith.constant 0 : i32
      %dma_wait3A_36 = tpu.memref_slice %arg11[%dma_wait3A_34, %dma_wait3A_35] : memref<10112x64xf32, #tpu.memory_space<vmem_shared>> -> memref<10112x64xf32, #tpu.memory_space<vmem_shared>>
      tpu.wait_indirect_dma semaphore(%arg13 : memref<!tpu.dma_semaphore, #tpu.memory_space<semaphore_mem>>) src(%dma_wait3A_36 : memref<10112x64xf32, #tpu.memory_space<vmem_shared>>) dst(%arg10 : memref<128x64xf32, #tpu.memory_space<vmem>>)
      %add3A_37 = arith.constant 1 : i32
      %add3A_38 = arith.addi %add3A_19, %add3A_37 : i32
      %lt3A = arith.constant 80 : i32
      %lt3A_39 = arith.cmpi slt, %add3A_38, %lt3A : i32
      %convert_element_type3A = arith.extui %lt3A_39 : i1 to i32
      %cond3A = arith.constant 0 : i32
      %cond3A_40 = arith.cmpi ne, %convert_element_type3A, %cond3A : i32
      scf.if %cond3A_40 {
        %add3A_41 = arith.constant 1 : i32
        %add3A_42 = arith.addi %add3A_19, %add3A_41 : i32
        %dma_start3A_43 = arith.constant 0 : i32
        %dma_start3A_44 = tpu.memref_slice %arg7[%add3A_42, %dma_start3A_43] : memref<80x128xi32, #tpu.memory_space<vmem>> -> memref<1x128xi32, #tpu.memory_space<vmem>>
        %dma_start3A_45 = tpu.memref_squeeze %dma_start3A_44 : memref<1x128xi32, #tpu.memory_space<vmem>> -> memref<128xi32, #tpu.memory_space<vmem>>
        %dma_start3A_46 = arith.constant 0 : i32
        %dma_start3A_47 = arith.constant 0 : i32
        %dma_start3A_48 = tpu.memref_slice %arg11[%dma_start3A_46, %dma_start3A_47] : memref<10112x64xf32, #tpu.memory_space<vmem_shared>> -> memref<10112x64xf32, #tpu.memory_space<vmem_shared>>
        tpu.enqueue_indirect_dma source(%dma_start3A_48 : memref<10112x64xf32, #tpu.memory_space<vmem_shared>>) target(%arg9 : memref<128x64xf32, #tpu.memory_space<vmem>>) offsets(%dma_start3A_45 : memref<128xi32, #tpu.memory_space<vmem>>) semaphore(%arg13 : memref<!tpu.dma_semaphore, #tpu.memory_space<semaphore_mem>>)
      } else {
      }
      "tpu.region"() ({
        %run_scoped3A = tpu.sem_alloc : memref<!tpu.dma_semaphore, #tpu.memory_space<semaphore_mem>>
        %dma_start3A_41 = arith.constant 0 : i32
        %dma_start3A_42 = tpu.memref_slice %arg8[%add3A_19, %dma_start3A_41] : memref<80x128xi32, #tpu.memory_space<vmem>> -> memref<1x128xi32, #tpu.memory_space<vmem>>
        %dma_start3A_43 = tpu.memref_squeeze %dma_start3A_42 : memref<1x128xi32, #tpu.memory_space<vmem>> -> memref<128xi32, #tpu.memory_space<vmem>>
        %dma_start3A_44 = arith.constant 0 : i32
        %dma_start3A_45 = arith.constant 0 : i32
        %dma_start3A_46 = tpu.memref_slice %arg12[%dma_start3A_44, %dma_start3A_45] : memref<10112x64xf32, #tpu.memory_space<vmem_shared>> -> memref<10112x64xf32, #tpu.memory_space<vmem_shared>>
        tpu.enqueue_indirect_dma source(%arg10 : memref<128x64xf32, #tpu.memory_space<vmem>>) target(%dma_start3A_46 : memref<10112x64xf32, #tpu.memory_space<vmem_shared>>) offsets(%dma_start3A_43 : memref<128xi32, #tpu.memory_space<vmem>>) semaphore(%run_scoped3A : memref<!tpu.dma_semaphore, #tpu.memory_space<semaphore_mem>>) {add = true}
        %dma_wait3A_47 = arith.constant 0 : i32
        %dma_wait3A_48 = tpu.memref_slice %arg8[%add3A_19, %dma_wait3A_47] : memref<80x128xi32, #tpu.memory_space<vmem>> -> memref<1x128xi32, #tpu.memory_space<vmem>>
        %dma_wait3A_49 = tpu.memref_squeeze %dma_wait3A_48 : memref<1x128xi32, #tpu.memory_space<vmem>> -> memref<128xi32, #tpu.memory_space<vmem>>
        %dma_wait3A_50 = arith.constant 0 : i32
        %dma_wait3A_51 = arith.constant 0 : i32
        %dma_wait3A_52 = tpu.memref_slice %arg12[%dma_wait3A_50, %dma_wait3A_51] : memref<10112x64xf32, #tpu.memory_space<vmem_shared>> -> memref<10112x64xf32, #tpu.memory_space<vmem_shared>>
        tpu.wait_indirect_dma semaphore(%run_scoped3A : memref<!tpu.dma_semaphore, #tpu.memory_space<semaphore_mem>>) src(%arg10 : memref<128x64xf32, #tpu.memory_space<vmem>>) dst(%dma_wait3A_52 : memref<10112x64xf32, #tpu.memory_space<vmem_shared>>)
        tpu.yield
      }) : () -> ()
    }
    %scan3A_13 = arith.constant 40 : i32
    %barrier3A_14 = arith.constant 0 : index
    tpu.barrier barrier_id(%barrier3A_14)
    "tpu.region"() ({
      %run_scoped3A = tpu.sem_alloc : memref<!tpu.dma_semaphore, #tpu.memory_space<semaphore_mem>>
      %dma_start3A_15 = arith.constant 0 : i32
      %dma_start3A_16 = tpu.memref_slice %arg6[%arg0, %mul3A_2, %dma_start3A_15] : memref<2x10112x64xf32, #tpu.memory_space<hbm>> -> memref<1x632x64xf32, #tpu.memory_space<hbm>>
      %dma_start3A_17 = tpu.memref_squeeze %dma_start3A_16 : memref<1x632x64xf32, #tpu.memory_space<hbm>> -> memref<632x64xf32, #tpu.memory_space<hbm>>
      %dma_start3A_18 = arith.constant 0 : i32
      %dma_start3A_19 = tpu.memref_slice %arg12[%mul3A_2, %dma_start3A_18] : memref<10112x64xf32, #tpu.memory_space<vmem_shared>> -> memref<632x64xf32, #tpu.memory_space<vmem_shared>>
      tpu.enqueue_dma source(%dma_start3A_19 : memref<632x64xf32, #tpu.memory_space<vmem_shared>>) target(%dma_start3A_17 : memref<632x64xf32, #tpu.memory_space<hbm>>) target_semaphore(%run_scoped3A : memref<!tpu.dma_semaphore, #tpu.memory_space<semaphore_mem>>)
      %dma_wait3A = arith.constant 0 : i32
      %dma_wait3A_20 = tpu.memref_slice %arg6[%arg0, %mul3A_2, %dma_wait3A] : memref<2x10112x64xf32, #tpu.memory_space<hbm>> -> memref<1x632x64xf32, #tpu.memory_space<hbm>>
      %dma_wait3A_21 = tpu.memref_squeeze %dma_wait3A_20 : memref<1x632x64xf32, #tpu.memory_space<hbm>> -> memref<632x64xf32, #tpu.memory_space<hbm>>
      %dma_wait3A_22 = arith.constant 0 : i32
      %dma_wait3A_23 = tpu.memref_slice %arg12[%mul3A_2, %dma_wait3A_22] : memref<10112x64xf32, #tpu.memory_space<vmem_shared>> -> memref<632x64xf32, #tpu.memory_space<vmem_shared>>
      tpu.wait_dma2 semaphore(%run_scoped3A : memref<!tpu.dma_semaphore, #tpu.memory_space<semaphore_mem>>) src(%dma_wait3A_23 : memref<632x64xf32, #tpu.memory_space<vmem_shared>>) dst(%dma_wait3A_21 : memref<632x64xf32, #tpu.memory_space<hbm>>)
      tpu.yield
    }) : () -> ()
    return
  }
}

module attributes {stable_mosaic.version = 14 : i64} {
  func.func @k(%arg0: i32, %arg1: memref<2x1264x16xf32, #tpu.memory_space<vmem>>, %arg2: memref<1264x128xf32, #tpu.memory_space<vmem>>, %arg3: memref<64x128xf32, #tpu.memory_space<vmem>>, %arg4: memref<1264x16xf32, #tpu.memory_space<vmem>>, %arg5: memref<1264x64xf32, #tpu.memory_space<vmem>>) attributes {dimension_semantics = [#tpu.dimension_semantics<arbitrary>], iteration_bounds = array<i64: 8>, scalar_prefetch = 0 : i64, scratch_operands = 0 : i64, tpu.core_type = #tpu.core_type<tc>, window_params = [{transform_indices = @transform_0, window_bounds = array<i64: 2, 1264, 16>}, {transform_indices = @transform_1, window_bounds = array<i64: 1264, 128>}, {pipeline_mode = #tpu.pipeline_mode<synchronous>, transform_indices = @transform_2, window_bounds = array<i64: 64, 128>}, {transform_indices = @transform_3, window_bounds = array<i64: 1264, 16>}, {transform_indices = @transform_4, window_bounds = array<i64: 1264, 64>}]} {
    %get3A = arith.constant 0 : index
    %get3A_0 = arith.constant 0 : index
    %get3A_1 = vector.load %arg2[%get3A, %get3A_0] : memref<1264x128xf32, #tpu.memory_space<vmem>>, vector<1264x128xf32>
    %get3A_2 = arith.constant 0 : index
    %get3A_3 = arith.constant 0 : index
    %get3A_4 = vector.load %arg3[%get3A_2, %get3A_3] : memref<64x128xf32, #tpu.memory_space<vmem>>, vector<64x128xf32>
    %dot_general3A = arith.constant dense<0.000000e+00> : vector<1264x64xf32>
    %dot_general3A_5 = tpu.matmul %get3A_1, %get3A_4, %dot_general3A {dimension_numbers = #tpu.dot_dimension_numbers<[1], [1], [0], [0], [0, 0, 1, 0], [], []>, transpose_lhs_hint = false} : vector<1264x128xf32>, vector<64x128xf32>, vector<1264x64xf32> -> vector<1264x64xf32>
    %get3A_6 = arith.constant 0 : index
    %get3A_7 = arith.constant 0 : index
    %get3A_8 = arith.constant 0 : index
    %get3A_9 = vector.load %arg1[%get3A_6, %get3A_7, %get3A_8] : memref<2x1264x16xf32, #tpu.memory_space<vmem>>, vector<1x1264x16xf32>
    %get3A_10 = vector.shape_cast %get3A_9 : vector<1x1264x16xf32> to vector<1264x16xf32>
    %get3A_11 = arith.constant 1 : index
    %get3A_12 = arith.constant 0 : index
    %get3A_13 = arith.constant 0 : index
    %get3A_14 = vector.load %arg1[%get3A_11, %get3A_12, %get3A_13] : memref<2x1264x16xf32, #tpu.memory_space<vmem>>, vector<1x1264x16xf32>
    %get3A_15 = vector.shape_cast %get3A_14 : vector<1x1264x16xf32> to vector<1264x16xf32>
    %add3A = arith.addf %get3A_10, %get3A_15 : vector<1264x16xf32>
    %add3A_16 = arith.constant 1.000000e+00 : f32
    %add3A_17 = vector.broadcast %add3A_16 : f32 to vector<1264x16xf32>
    %add3A_18 = arith.addf %add3A, %add3A_17 : vector<1264x16xf32>
    %rsqrt3A = math.rsqrt %add3A_18 : vector<1264x16xf32>
    %swap3A = arith.constant 0 : index
    %swap3A_19 = arith.constant 0 : index
    %swap3A_20 = vector.load %arg4[%swap3A, %swap3A_19] : memref<1264x16xf32, #tpu.memory_space<vmem>>, vector<1264x16xf32>
    tpu.vector_store %arg4[%swap3A, %swap3A_19], %rsqrt3A {strides = array<i32>} : memref<1264x16xf32, #tpu.memory_space<vmem>>, vector<1264x16xf32>,
    %slice3A = vector.extract_strided_slice %rsqrt3A {offsets = [0, 0], sizes = [1264, 1], strides = [1, 1]} : vector<1264x16xf32> to vector<1264x1xf32>
    %mul3A = vector.broadcast %slice3A : vector<1264x1xf32> to vector<1264x64xf32>
    %mul3A_21 = arith.mulf %mul3A, %dot_general3A_5 : vector<1264x64xf32>
    %swap3A_22 = arith.constant 0 : index
    %swap3A_23 = arith.constant 0 : index
    %swap3A_24 = vector.load %arg5[%swap3A_22, %swap3A_23] : memref<1264x64xf32, #tpu.memory_space<vmem>>, vector<1264x64xf32>
    tpu.vector_store %arg5[%swap3A_22, %swap3A_23], %mul3A_21 {strides = array<i32>} : memref<1264x64xf32, #tpu.memory_space<vmem>>, vector<1264x64xf32>,
    return
  }
  func.func @transform_0(%arg0: i32) -> (i32, i32, i32) {
    %c0_i32 = arith.constant 0 : i32
    %c0_i32_0 = arith.constant 0 : i32
    %c0_i32_1 = arith.constant 0 : i32
    return %c0_i32, %arg0, %c0_i32_0 : i32, i32, i32
  }
  func.func @transform_1(%arg0: i32) -> (i32, i32) {
    %c0_i32 = arith.constant 0 : i32
    %c0_i32_0 = arith.constant 0 : i32
    return %arg0, %c0_i32 : i32, i32
  }
  func.func @transform_2(%arg0: i32) -> (i32, i32) {
    %c0_i32 = arith.constant 0 : i32
    %c0_i32_0 = arith.constant 0 : i32
    %c0_i32_1 = arith.constant 0 : i32
    return %c0_i32, %c0_i32_0 : i32, i32
  }
  func.func @transform_3(%arg0: i32) -> (i32, i32) {
    %c0_i32 = arith.constant 0 : i32
    %c0_i32_0 = arith.constant 0 : i32
    return %arg0, %c0_i32 : i32, i32
  }
  func.func @transform_4(%arg0: i32) -> (i32, i32) {
    %c0_i32 = arith.constant 0 : i32
    %c0_i32_0 = arith.constant 0 : i32
    return %arg0, %c0_i32 : i32, i32
  }
}

module attributes {stable_mosaic.version = 14 : i64} {
  func.func @k(%arg0: i32, %arg1: memref<2x1264x64xf32, #tpu.memory_space<vmem>>, %arg2: memref<1264x64xf32, #tpu.memory_space<vmem>>, %arg3: memref<1264x16xf32, #tpu.memory_space<vmem>>, %arg4: memref<1264x64xf32, #tpu.memory_space<vmem>>) attributes {dimension_semantics = [#tpu.dimension_semantics<arbitrary>], iteration_bounds = array<i64: 8>, scalar_prefetch = 0 : i64, scratch_operands = 0 : i64, tpu.core_type = #tpu.core_type<tc>, window_params = [{transform_indices = @transform_0, window_bounds = array<i64: 2, 1264, 64>}, {transform_indices = @transform_1, window_bounds = array<i64: 1264, 64>}, {transform_indices = @transform_2, window_bounds = array<i64: 1264, 16>}, {transform_indices = @transform_3, window_bounds = array<i64: 1264, 64>}]} {
    %get3A = arith.constant 0 : index
    %get3A_0 = arith.constant 0 : index
    %get3A_1 = arith.constant 0 : index
    %get3A_2 = vector.load %arg1[%get3A, %get3A_0, %get3A_1] : memref<2x1264x64xf32, #tpu.memory_space<vmem>>, vector<1x1264x64xf32>
    %get3A_3 = vector.shape_cast %get3A_2 : vector<1x1264x64xf32> to vector<1264x64xf32>
    %get3A_4 = arith.constant 1 : index
    %get3A_5 = arith.constant 0 : index
    %get3A_6 = arith.constant 0 : index
    %get3A_7 = vector.load %arg1[%get3A_4, %get3A_5, %get3A_6] : memref<2x1264x64xf32, #tpu.memory_space<vmem>>, vector<1x1264x64xf32>
    %get3A_8 = vector.shape_cast %get3A_7 : vector<1x1264x64xf32> to vector<1264x64xf32>
    %add3A = arith.addf %get3A_3, %get3A_8 : vector<1264x64xf32>
    %get3A_9 = arith.constant 0 : index
    %get3A_10 = arith.constant 0 : index
    %get3A_11 = vector.load %arg3[%get3A_9, %get3A_10] : memref<1264x16xf32, #tpu.memory_space<vmem>>, vector<1264x16xf32>
    %slice3A = vector.extract_strided_slice %get3A_11 {offsets = [0, 0], sizes = [1264, 1], strides = [1, 1]} : vector<1264x16xf32> to vector<1264x1xf32>
    %mul3A = arith.mulf %slice3A, %slice3A : vector<1264x1xf32>
    %get3A_12 = arith.constant 0 : index
    %get3A_13 = arith.constant 0 : index
    %get3A_14 = vector.load %arg2[%get3A_12, %get3A_13] : memref<1264x64xf32, #tpu.memory_space<vmem>>, vector<1264x64xf32>
    %add3A_15 = arith.addf %add3A, %get3A_14 : vector<1264x64xf32>
    %mul3A_16 = vector.broadcast %mul3A : vector<1264x1xf32> to vector<1264x64xf32>
    %mul3A_17 = arith.mulf %mul3A_16, %add3A_15 : vector<1264x64xf32>
    %swap3A = arith.constant 0 : index
    %swap3A_18 = arith.constant 0 : index
    %swap3A_19 = vector.load %arg4[%swap3A, %swap3A_18] : memref<1264x64xf32, #tpu.memory_space<vmem>>, vector<1264x64xf32>
    tpu.vector_store %arg4[%swap3A, %swap3A_18], %mul3A_17 {strides = array<i32>} : memref<1264x64xf32, #tpu.memory_space<vmem>>, vector<1264x64xf32>,
    return
  }
  func.func @transform_0(%arg0: i32) -> (i32, i32, i32) {
    %c0_i32 = arith.constant 0 : i32
    %c0_i32_0 = arith.constant 0 : i32
    %c0_i32_1 = arith.constant 0 : i32
    return %c0_i32, %arg0, %c0_i32_0 : i32, i32, i32
  }
  func.func @transform_1(%arg0: i32) -> (i32, i32) {
    %c0_i32 = arith.constant 0 : i32
    %c0_i32_0 = arith.constant 0 : i32
    return %arg0, %c0_i32 : i32, i32
  }
  func.func @transform_2(%arg0: i32) -> (i32, i32) {
    %c0_i32 = arith.constant 0 : i32
    %c0_i32_0 = arith.constant 0 : i32
    return %arg0, %c0_i32 : i32, i32
  }
  func.func @transform_3(%arg0: i32) -> (i32, i32) {
    %c0_i32 = arith.constant 0 : i32
    %c0_i32_0 = arith.constant 0 : i32
    return %arg0, %c0_i32 : i32, i32
  }
}

module attributes {stable_mosaic.version = 14 : i64} {
  func.func @k(%arg0: i32, %arg1: memref<2x1264x64xf32, #tpu.memory_space<vmem>>, %arg2: memref<1264x64xf32, #tpu.memory_space<vmem>>, %arg3: memref<1264x16xf32, #tpu.memory_space<vmem>>, %arg4: memref<1x64xf32, #tpu.memory_space<vmem>>, %arg5: memref<1264x64xf32, #tpu.memory_space<vmem>>) attributes {dimension_semantics = [#tpu.dimension_semantics<arbitrary>], iteration_bounds = array<i64: 8>, scalar_prefetch = 0 : i64, scratch_operands = 0 : i64, tpu.core_type = #tpu.core_type<tc>, window_params = [{transform_indices = @transform_0, window_bounds = array<i64: 2, 1264, 64>}, {transform_indices = @transform_1, window_bounds = array<i64: 1264, 64>}, {transform_indices = @transform_2, window_bounds = array<i64: 1264, 16>}, {pipeline_mode = #tpu.pipeline_mode<synchronous>, transform_indices = @transform_3, window_bounds = array<i64: 1, 64>}, {transform_indices = @transform_4, window_bounds = array<i64: 1264, 64>}]} {
    %get3A = arith.constant 0 : index
    %get3A_0 = arith.constant 0 : index
    %get3A_1 = arith.constant 0 : index
    %get3A_2 = vector.load %arg1[%get3A, %get3A_0, %get3A_1] : memref<2x1264x64xf32, #tpu.memory_space<vmem>>, vector<1x1264x64xf32>
    %get3A_3 = vector.shape_cast %get3A_2 : vector<1x1264x64xf32> to vector<1264x64xf32>
    %get3A_4 = arith.constant 1 : index
    %get3A_5 = arith.constant 0 : index
    %get3A_6 = arith.constant 0 : index
    %get3A_7 = vector.load %arg1[%get3A_4, %get3A_5, %get3A_6] : memref<2x1264x64xf32, #tpu.memory_space<vmem>>, vector<1x1264x64xf32>
    %get3A_8 = vector.shape_cast %get3A_7 : vector<1x1264x64xf32> to vector<1264x64xf32>
    %add3A = arith.addf %get3A_3, %get3A_8 : vector<1264x64xf32>
    %get3A_9 = arith.constant 0 : index
    %get3A_10 = arith.constant 0 : index
    %get3A_11 = vector.load %arg3[%get3A_9, %get3A_10] : memref<1264x16xf32, #tpu.memory_space<vmem>>, vector<1264x16xf32>
    %slice3A = vector.extract_strided_slice %get3A_11 {offsets = [0, 0], sizes = [1264, 1], strides = [1, 1]} : vector<1264x16xf32> to vector<1264x1xf32>
    %get3A_12 = arith.constant 0 : index
    %get3A_13 = arith.constant 0 : index
    %get3A_14 = vector.load %arg2[%get3A_12, %get3A_13] : memref<1264x64xf32, #tpu.memory_space<vmem>>, vector<1264x64xf32>
    %add3A_15 = arith.addf %add3A, %get3A_14 : vector<1264x64xf32>
    %mul3A = vector.broadcast %slice3A : vector<1264x1xf32> to vector<1264x64xf32>
    %mul3A_16 = arith.mulf %mul3A, %add3A_15 : vector<1264x64xf32>
    %get3A_17 = arith.constant 0 : index
    %get3A_18 = arith.constant 0 : index
    %get3A_19 = vector.load %arg4[%get3A_17, %get3A_18] : memref<1x64xf32, #tpu.memory_space<vmem>>, vector<1x64xf32>
    %add3A_20 = vector.broadcast %get3A_19 : vector<1x64xf32> to vector<1264x64xf32>
    %add3A_21 = arith.addf %mul3A_16, %add3A_20 : vector<1264x64xf32>
    %swap3A = arith.constant 0 : index
    %swap3A_22 = arith.constant 0 : index
    %swap3A_23 = vector.load %arg5[%swap3A, %swap3A_22] : memref<1264x64xf32, #tpu.memory_space<vmem>>, vector<1264x64xf32>
    tpu.vector_store %arg5[%swap3A, %swap3A_22], %add3A_21 {strides = array<i32>} : memref<1264x64xf32, #tpu.memory_space<vmem>>, vector<1264x64xf32>,
    return
  }
  func.func @transform_0(%arg0: i32) -> (i32, i32, i32) {
    %c0_i32 = arith.constant 0 : i32
    %c0_i32_0 = arith.constant 0 : i32
    %c0_i32_1 = arith.constant 0 : i32
    return %c0_i32, %arg0, %c0_i32_0 : i32, i32, i32
  }
  func.func @transform_1(%arg0: i32) -> (i32, i32) {
    %c0_i32 = arith.constant 0 : i32
    %c0_i32_0 = arith.constant 0 : i32
    return %arg0, %c0_i32 : i32, i32
  }
  func.func @transform_2(%arg0: i32) -> (i32, i32) {
    %c0_i32 = arith.constant 0 : i32
    %c0_i32_0 = arith.constant 0 : i32
    return %arg0, %c0_i32 : i32, i32
  }
  func.func @transform_3(%arg0: i32) -> (i32, i32) {
    %c0_i32 = arith.constant 0 : i32
    %c0_i32_0 = arith.constant 0 : i32
    %c0_i32_1 = arith.constant 0 : i32
    return %c0_i32, %c0_i32_0 : i32, i32
  }
  func.func @transform_4(%arg0: i32) -> (i32, i32) {
    %c0_i32 = arith.constant 0 : i32
    %c0_i32_0 = arith.constant 0 : i32
    return %arg0, %c0_i32 : i32, i32
  }
}

</mosaic_0001>

<sc_bundles>
// kernel: kernel.11.cloned.1.call-start
scs
__scs_entry_jumppad:
0x0: {  	(pc) =	sbr.rel $0x88, $3  }
0x1: {  	(tag) =	ssettag $0x0;
	lr =	simm.s32 $0x1  }
0x2: {  	[smem:$0x3F9D] =	sst lr;
	_ =	strace $0xD0000000  }
0x3: {  	_ = 	snop  }
0x4: {  	_ = 	snop  }
0x5: {  	_ = 	snop  }
0x6: {  	_ = 	snop  }
0x7: {  	_ = 	snop  }
__scs_overlays_trampoline_lowered:
0x8: {  	[smem:$0x3FAC] =	sst s0  }
0x9: {  	[smem:$0x3FAD] =	sst s1  }
0xa: {  	[smem:$0x3FAE] =	sst s2  }
0xb: {  	[smem:$0x3FAF] =	sst s3  }
0xc: {  	[smem:$0x3FB0] =	sst s4  }
0xd: {  	[smem:$0x3FB1] =	sst s5  }
0xe: {  	[smem:$0x3FB2] =	sst s6  }
0xf: {  	[smem:$0x3FB3] =	sst s7  }
0x10: {  	[smem:$0x3FB4] =	sst s8  }
0x11: {  	[smem:$0x3FB5] =	sst s9;
	s0 =	simm.s32 @!p0 $0x0  }
0x12: {  	s1 =	sld [smem:$0x3F9B];
	s0 =	simm.s32 @p0 $0x1  }
0x13: {  	[smem:$0x3FB6] =	sst s0;
	s0 =	simm.s32 @!p1 $0x0  }
0x14: {  	s2 =	sld [smem:$0x3F9A];
	s0 =	simm.s32 @p1 $0x1  }
0x15: {  	[smem:$0x3FB7] =	sst s0;
	s0 =	simm.s32 @!p2 $0x0  }
0x16: {  	s3 =	sld [smem:$0x3FDB];
	s0 =	simm.s32 @p2 $0x1  }
0x17: {  	s4 =	simm.s32 $0x1BF5;
	[smem:$0x3FB9] =	sst s0  }
0x18: {  	s0 =	sld [smem:$0x3F9C];
	_ =	swait.ge [sflag:s4], $0x0  }
0x19: {  	s7 =	sld [smem:$0x3F9D]  }
0x1a: {  	s8 =	sadd.s32 $0xFFFFE003, lr  }
0x1b: {  	s9 =	sadd.s32 $0xFFFFFEF7, lr;
	s5 =	simm.s32 $0xFFFFFFFF;
	p2 =	slt.u32 s8, $0xFFFFF086  }
0x1c: {  	p1 =	slt.u32 s9, $0xF7A;
	s5 =	simm.s32 @!p2 $0x0  }
0x1d: {  	s5 =	simm.s32 @p1 $0x1;
	p0 =	seq.s32 s7, s2  }
0x1e: {  	s7 =	smul.u32 @!p0 $0xF7A, s2;
	p2 =	seq.s32 @!p0 s5, $0x0  }
0x1f: {  	s9 =	smul.u32 $0xF7A, s1;
	s8 =	simm.s32 @!p0 $0x1BF5;
	p2 =	por !p2, p0  }
0x20: {  	[sflag:s8] =	ssyncset.s32 @!p0 $0xFFFFF086;
	s6 =	sadd.s32 @!p0 s3, s7;
	s7 =	simm.s32 @!p0 $0x108  }
0x21: {  	s3 =	sadd.s32 s3, s9;
	s6 =	sadd.s32 @!p0 $0x88, s6;
	s7 =	simm.s32 @p2 $0x1082  }
0x22: {  	[simem:s7], [sflag:s8] =	dma.local @!p0 [hbm:s6], $0xF7A  }
0x23: {  	s9 =	sor.u32 $0xD0000000, s2;
	s6 =	simm.s32 $0x108;
	_ =	swait.ge @!p0 [sflag:s8], $0x0  }
0x24: {  	s3 =	sadd.s32 $0x88, s3;
	s6 =	simm.s32 @!p1 $0x1082;
	[sflag:s4] =	ssyncset.s32 $0xFFFFF086  }
0x25: {  	[simem:s6], [sflag:s4] =	dma.local [hbm:s3], $0xF7A  }
0x26: {  	[smem:$0x3F9D] =	sst s1;
	(tag) =	ssettag s2;
	_ =	strace s9  }
0x27: {  	s1 =	sld [smem:$0x3FAD]  }
0x28: {  	s2 =	sld [smem:$0x3FAE]  }
0x29: {  	s4 =	sld [smem:$0x3FB0]  }
0x2a: {  	p0 =	seq.s32 s5, $0x0;
	s5 =	sld [smem:$0x3FB1]  }
0x2b: {  	s6 =	sld [smem:$0x3FB2]  }
0x2c: {  	s7 =	sld [smem:$0x3FB3]  }
0x2d: {  	s3 =	simm.s32 $0x108;
	s8 =	sld [smem:$0x3FB4]  }
0x2e: {  	s3 =	simm.s32 @!p0 $0x1082;
	s9 =	sld [smem:$0x3FB5]  }
0x2f: {  	lr =	sadd.s32 s0, s3;
	s0 =	sld [smem:$0x3FAC]  }
0x30: {  	s3 =	sld [smem:$0x3FAF]  }
0x31: {  	[smem:$0x3FB8] =	sst s10  }
0x32: {  	s10 =	sld [smem:$0x3FB6];
	_ =	sdelay $0x3  }
0x33: {  	p0 =	seq.s32 s10, $0x1;
	s10 =	sld [smem:$0x3FB8];
	_ =	sdelay $0x3  }
0x34: {  	[smem:$0x3FB8] =	sst s10  }
0x35: {  	s10 =	sld [smem:$0x3FB7];
	_ =	sdelay $0x3  }
0x36: {  	p1 =	seq.s32 s10, $0x1;
	s10 =	sld [smem:$0x3FB8];
	_ =	sdelay $0x3  }
0x37: {  	[smem:$0x3FB8] =	sst s10  }
0x38: {  	s10 =	sld [smem:$0x3FB9]  }
0x39: {  	_ = 	snop;
	(pc) =	sbr.ind lr, $3  }
0x3a: {  	_ = 	snop  }
0x3b: {  	_ = 	snop  }
0x3c: {  	p2 =	seq.s32 s10, $0x1;
	s10 =	sld [smem:$0x3FB8]  }
0x3d: {  	_ =	shalt  }
0x3e: {  	_ =	shalt  }
0x3f: {  	_ =	shalt  }
0x40: {  	_ =	shalt  }
0x41: {  	_ =	shalt  }
0x42: {  	_ =	shalt  }
0x43: {  	_ =	shalt  }
0x44: {  	_ =	shalt  }
0x45: {  	_ =	shalt  }
0x46: {  	_ =	shalt  }
0x47: {  	_ =	shalt  }
0x48: {  	_ =	shalt  }
0x49: {  	_ =	shalt  }
0x4a: {  	_ =	shalt  }
0x4b: {  	_ =	shalt  }
0x4c: {  	_ =	shalt  }
0x4d: {  	_ =	shalt  }
0x4e: {  	_ =	shalt  }
0x4f: {  	_ =	shalt  }
0x50: {  	_ =	shalt  }
0x51: {  	_ =	shalt  }
0x52: {  	_ =	shalt  }
0x53: {  	_ =	shalt  }
0x54: {  	_ =	shalt  }
0x55: {  	_ =	shalt  }
0x56: {  	_ =	shalt  }
0x57: {  	_ =	shalt  }
0x58: {  	_ =	shalt  }
0x59: {  	_ =	shalt  }
0x5a: {  	_ =	shalt  }
0x5b: {  	_ =	shalt  }
0x5c: {  	_ =	shalt  }
0x5d: {  	_ =	shalt  }
0x5e: {  	_ =	shalt  }
0x5f: {  	_ =	shalt  }
0x60: {  	_ =	shalt  }
0x61: {  	_ =	shalt  }
0x62: {  	_ =	shalt  }
0x63: {  	_ =	shalt  }
0x64: {  	_ =	shalt  }
0x65: {  	_ =	shalt  }
0x66: {  	_ =	shalt  }
0x67: {  	_ =	shalt  }
0x68: {  	_ =	shalt  }
0x69: {  	_ =	shalt  }
0x6a: {  	_ =	shalt  }
0x6b: {  	_ =	shalt  }
0x6c: {  	_ =	shalt  }
0x6d: {  	_ =	shalt  }
0x6e: {  	_ =	shalt  }
0x6f: {  	_ =	shalt  }
0x70: {  	_ =	shalt  }
0x71: {  	_ =	shalt  }
0x72: {  	_ =	shalt  }
0x73: {  	_ =	shalt  }
0x74: {  	_ =	shalt  }
0x75: {  	_ =	shalt  }
0x76: {  	_ =	shalt  }
0x77: {  	_ =	shalt  }
0x78: {  	_ =	shalt  }
0x79: {  	_ =	shalt  }
0x7a: {  	_ =	shalt  }
0x7b: {  	_ =	shalt  }
0x7c: {  	_ =	shalt  }
0x7d: {  	_ =	shalt  }
0x7e: {  	_ =	shalt  }
0x7f: {  	_ =	shalt  }
0x80: {  	_ =	shalt  }
0x81: {  	_ =	shalt  }
0x82: {  	_ =	shalt  }
0x83: {  	_ =	shalt  }
0x84: {  	_ =	shalt  }
0x85: {  	_ =	shalt  }
0x86: {  	_ =	shalt  }
0x87: {  	_ =	shalt  }
.Lfunc_end0:
.L_simem_size_0:
called_computation.1_lowered:
.L_overlay_start_0:
0x88: {  	s2 =	sld [smem:$0x3FD9]  }
0x89: {  	s3 =	sld [smem:$0x3FFE];
	_ =	sdelay $0x1  }
0x8a: {  	s1 =	srdreg.scid  }
0x8b: {  	s0 =	sand.u32 $0x1, s1  }
0x8c: {  	s17 =	sshll.u32 s0, $0xA;
	s2 =	sadd.s32 s3, s2  }
0x8d: {  	s2 =	sadd.s32 s2, s17  }
0x8e: {  	[smem:$0x3FC4] =	sst s2  }
0x8f: {  	_ = 	snop  }
0x90: {  	s2 =	sld [smem:$0x3FD0];
	(tm) =	ssettm $0x1  }
0x91: {  	s18 =	sld [smem:$0x3FFB];
	_ =	sdelay $0x3  }
0x92: {  	_ =	strace s18  }
0x93: {  	s3 =	sld [smem:$0x3FFC];
	_ =	sdelay $0x3  }
0x94: {  	_ =	strace s3  }
0x95: {  	s3 =	sld [smem:$0x3FFD];
	_ =	sdelay $0x3  }
0x96: {  	_ =	strace s3  }
0x97: {  	_ =	strace $0x8FFFFFFF  }
0x98: {  	s19 =	sld [smem:$0x3FDB];
	_ =	sdelay $0x1  }
0x99: {  	s4 =	simm.s32 $_scs_section_size  }
0x9a: {  	s5 =	simm.s32 $_size__tile_overlayer_lowered;
	s6 =	simm.s32 $_tile_overlayer_lowered  }
0x9b: {  	s22 =	simm.s32 $0x1BFF;
	s21 =	sshll.u32 s6, $0x1;
	s3 =	sadd.s32 s4, s19  }
0x9c: {  	s7 =	simm.s32 $0x0;
	s20 =	sshll.u32 s5, $0x1;
	s5 =	sadd.s32 s21, s3  }
0x9d: {  	[timem:s7], [sflag:s22] =	dma.local [hbm:s5], s20  }
0x9e: {  	_ =	swait.ge [sflag:s22], s20  }
0x9f: {  	s4 =	ssub.s32 $0x0, s20;
	[sflag:s22] =	ssyncset.done $0x0  }
0xa0: {  	[sflag:s22] =	ssyncadd.s32 s4;
	_ =	sdelay $0x1  }
0xa1: {  	s23 =	simm.s32 $0x1B8B  }
0xa2: {  	_ =	swait.ge [sflag:s23], $0x1  }
0xa3: {  	[sflag:s23] =	ssyncset.done $0x0  }
0xa4: {  	s25 =	simm.s32 $0x1B8E;
	s24 =	sld [smem:$0x3FFE];
	[sflag:s23] =	ssyncadd.s32 $0xFFFFFFFF  }
0xa5: {  	s26 =	simm.s32 $execute0_lowered;
	[smem:$0x3FD2] =	sst s25  }
0xa6: {  	s5 =	sshll.u32 s26, $0x1;
	_ =	strace $0x80000049;
	[dreg:$0x1] =	wrdreg $0xFFFFFFFF  }
0xa7: {  	s28 =	simm.s32 $_size_execute0_lowered;
	s3 =	sadd.s32 s3, s5;
	[dreg:$0x0] =	wrdreg $0x0  }
0xa8: {  	s5 =	sshll.u32 s28, $0x1;
	[dreg:$0x2] =	wrdreg s3  }
0xa9: {  	[dreg:$0x3] =	wrdreg s5  }
0xaa: {  	[dreg:$0x4] =	wrdreg $0xC0  }
0xab: {  	_ =	task [dreg:s7], $0x5FFFF  }
0xac: {  	[dreg:$0x1] =	wrdreg $0xFFFFFFFF  }
0xad: {  	[dreg:$0x0] =	wrdreg $0x60  }
0xae: {  	[dreg:$0x2] =	wrdreg s2  }
0xaf: {  	[dreg:$0x3] =	wrdreg s24  }
0xb0: {  	[dreg:$0x4] =	wrdreg $0x90000  }
0xb1: {  	[dreg:$0x5] =	wrdreg $0x12E000  }
0xb2: {  	[dreg:$0x6] =	wrdreg $0x9  }
0xb3: {  	_ =	task.clear_ibuf [dreg:s7], $0x7FFFF;
	_ =	strace $0x90000049  }
0xb4: {  	s29 =	simm.s32 $0x9;
	_ =	strace $0x8000004B  }
0xb5: {  	_ =	swait.ge [sflag:s29], $0x1  }
0xb6: {  	[sflag:s29] =	ssyncadd.s32 $0xFFFFFFFF  }
0xb7: {  	_ =	strace $0x9000004B  }
0xb8: {  	_ =	sfence  }
0xb9: {  	s30 =	sld [smem:$0x0];
	_ =	sdelay $0x2  }
0xba: {  	s31 =	sshll.u32 s1, $0xD;
	s1 =	sshrl.u32 s1, $0x2  }
0xbb: {  	s3 =	sand.u32 $0x4000, s31;
	s1 =	sadd.s32 s1, s30  }
0xbc: {  	s0 =	sor.u32 s3, s0;
	s1 =	sshll.u32 s1, $0x11  }
0xbd: {  	s0 =	sor.u32 s1, s0  }
0xbe: {  	s0 =	sadd.s32 $0x8F2B, s0  }
0xbf: {  	[sflag:s0] =	ssyncadd.remote.s32 $0x1  }
0xc0: {  	_ =	sfence.sel $0xFFFF  }
0xc1: {  	[dreg:$0x0] =	wrdreg $0xFFFFFFFF;
	(pc) =	sbr.abs _section_cstart, $3  }
0xc2: {  	[dreg:$0x1] =	wrdreg $0xFFFFFFFF  }
0xc3: {  	_ =	task.clear_ibuf [dreg:s7], $0x2FFFF;
	_ =	strace $0x9FFFFFFF  }
0xc4: {  	(tm) =	ssettm $0x7FFFFFFF  }
0xc5: {  	_ =	shalt  }
tec
execute0_lowered:
.L_overlay_start_1:
0x0: {  	(tag) =	ssettag $0x1  }
0x1: {  	s7 =	rddreg [dreg:$0x0]  }
0x2: {  	s6 =	rddreg [dreg:$0x1]  }
0x3: {  	s2 =	rddreg [dreg:$0x2]  }
0x4: {  	s0 =	srdreg.scid;
	s3 =	rddreg [dreg:$0x3]  }
0x5: {  	s4 =	simm.s32 $0x0;
	s16 =	simm.s32 $0x80;
	s17 =	simm.s32 $0x5000  }
0x6: {  	s18 =	simm.s32 $0x1;
	s19 =	simm.s32 $0x7000;
	s20 =	simm.s32 $0x2780  }
0x7: {  	s21 =	simm.s32 $0x4F00;
	s5 =	sand.u32 $0x1, s0;
	s0 =	stileid.u32  }
0x8: {  	s22 =	simm.s32 $0x4F80;
	s23 =	simm.s32 $0x0;
	s9 =	smul.u32 $0x9E00, s0  }
0x9: {  	[smem:$0x7FF] =	sst s4;
	s1 =	sshll.u32 s5, $0x4;
	s10 =	smul.u32 $0x9E000, s5  }
0xa: {  	s5 =	ssub.s32 $0x2, s5;
	s31 =	sshll.u32 s0, $0x6;
	s1 =	sor.u32 s0, s1  }
0xb: {  	s13 =	sshrl.u32 s5, $0x1;
	s8 =	smul.u32 $0x500, s1;
	s1 =	rddreg [dreg:$0x4]  }
0xc: {  	_ =	strace $0x8000004A;
	s11 =	sshrl.u32 s9, $0x3;
	s10 =	sadd.s32 s9, s10  }
0xd: {  	s13 =	ssub.s32 s5, s13;
	s14 =	sadd.s32 s9, s2;
	s15 =	sadd.s32 s9, s3  }
0xe: {  	s12 =	sadd.s32 s11, s6;
	s10 =	sshrl.u32 s10, $0x3;
	s7 =	sadd.s32 s7, s11  }
0xf: {  	s11 =	simm.s32 $0x2;
	s14 =	sshrl.u32 s14, $0x3;
	s8 =	sadd.s32 s8, s6  }
0x10: {  	s15 =	sshrl.u32 s15, $0x3;
	s10 =	sadd.s32 s10, s6;
	s5 =	sadd.s32 $0x1C00, s8  }
0x11: {  	s6 =	sadd.s32 $0xBC00, s8;
	s8 =	sadd.s32 $0x15C00, s12;
	s9 =	sadd.s32 $0x29800, s10  }
0x12: {  	s10 =	smax.u32 s13, $0x1;
	s12 =	simm.s32 $0x2800;
	s13 =	sor.u32 $0x1C02, s31  }
.LBB2_1:
0x13: {  	[tilespmem:s4], [sflag:$0x2] =	stream.linear.gather [hbm4b:s5+s4], $0x2800, $0x38;
	[tilespmem:$0x1CC00] =	vst v63  }
0x14: {  	_ =	swait.ge [sflag:s11], $0x2800  }
0x15: {  	[sflag:s11] =	ssyncset.done $0x0  }
0x16: {  	[sflag:s11] =	ssyncadd.s32 $0xFFFFD800  }
0x17: {  	[tilespmem:s12], [sflag:$0x2] =	stream.linear.gather [hbm4b:s6+s4], $0x2800, $0x38;
	[tilespmem:$0x1CC00] =	vst v63  }
0x18: {  	_ =	swait.ge [sflag:s11], $0x2800  }
0x19: {  	[sflag:s11] =	ssyncset.done $0x0  }
0x1a: {  	[sflag:s11] =	ssyncadd.s32 $0xFFFFD800  }
0x1b: {  	[spmem:s14], [sflag:s13] =	dma.local [hbm:s7], $0x13C0  }
0x1c: {  	_ =	swait.ge [sflag:s11], $0x13C0  }
0x1d: {  	[sflag:s11] =	ssyncset.done $0x0  }
0x1e: {  	[sflag:s11] =	ssyncadd.s32 $0xFFFFEC40  }
0x1f: {  	[spmem:s15], [sflag:s13] =	dma.local [hbm:s8], $0x13C0  }
0x20: {  	_ =	swait.ge [sflag:s11], $0x13C0  }
0x21: {  	[sflag:s11] =	ssyncset.done $0x0  }
0x22: {  	[sflag:s11] =	ssyncadd.s32 $0xFFFFEC40  }
0x23: {  	[bflag:$0x0] =	sbarrier.arrive $0xFFFF  }
0x24: {  	[tilespmem:s17], [sflag:$0x1] =	stream.indirect.gather [spmem:s2], $0x40, s4, s16, $0xb8;
	[tilespmem:$0x1CC00] =	vst v63  }
0x25: {  	_ =	swait.ge [sflag:s18], $0x2000  }
0x26: {  	[sflag:s18] =	ssyncset.done $0x0  }
0x27: {  	s24 =	simm.s32 $0x80;
	[sflag:s18] =	ssyncadd.s32 $0xFFFFE000  }
0x28: {  	[tilespmem:s19], [sflag:$0x1] =	stream.indirect.gather [spmem:s2], $0x40, s24, s16, $0xb8;
	[tilespmem:$0x1CC00] =	vst v63  }
0x29: {  	s29 =	simm.s32 $0x2800  }
0x2a: {  	[spmem:s3] =	stream.indirect.scatter.add.f32 [tilespmem:s17], [sflag:$0x2], $0x40, s29, s16, $0xb8;
	[tilespmem:$0x1CC00] =	vst v63  }
0x2b: {  	_ =	swait.ge [sflag:s11], $0x2000  }
0x2c: {  	[sflag:s11] =	ssyncset.done $0x0  }
0x2d: {  	[sflag:s11] =	ssyncadd.s32 $0xFFFFE000  }
0x2e: {  	_ =	swait.ge [sflag:s18], $0x2000  }
0x2f: {  	[sflag:s18] =	ssyncset.done $0x0  }
0x30: {  	s30 =	simm.s32 $0x100;
	[sflag:s18] =	ssyncadd.s32 $0xFFFFE000  }
0x31: {  	[tilespmem:s17], [sflag:$0x1] =	stream.indirect.gather [spmem:s2], $0x40, s30, s16, $0xb8;
	[tilespmem:$0x1CC00] =	vst v63  }
0x32: {  	s31 =	simm.s32 $0x2880  }
0x33: {  	[spmem:s3] =	stream.indirect.scatter.add.f32 [tilespmem:s19], [sflag:$0x2], $0x40, s31, s16, $0xb8;
	[tilespmem:$0x1CC00] =	vst v63  }
0x34: {  	_ =	swait.ge [sflag:s11], $0x2000  }
0x35: {  	s24 =	simm.s32 $0x400;
	[sflag:s11] =	ssyncset.done $0x0  }
.LBB2_2:
0x36: {  	p0 =	sne.s32 s24, $0x9800  }
0x37: {  	[sflag:s11] =	ssyncadd.s32 $0xFFFFE000;
	s25 =	smov.u32 s24;
	s24 =	sadd.s32 $0x400, s24  }
0x38: {  	_ = 	snop  }
0x39: {  	_ =	swait.ge [sflag:s18], $0x2000  }
0x3a: {  	s25 =	sshra.s32 s25, $0x2;
	[sflag:s18] =	ssyncset.done $0x0  }
0x3b: {  	s26 =	sadd.s32 $0x80, s25;
	[sflag:s18] =	ssyncadd.s32 $0xFFFFE000  }
0x3c: {  	[tilespmem:s19], [sflag:$0x1] =	stream.indirect.gather [spmem:s2], $0x40, s26, s16, $0xb8;
	[tilespmem:$0x1CC00] =	vst v63  }
0x3d: {  	s26 =	sadd.s32 $0x2800, s25  }
0x3e: {  	[spmem:s3] =	stream.indirect.scatter.add.f32 [tilespmem:s17], [sflag:$0x2], $0x40, s26, s16, $0xb8;
	[tilespmem:$0x1CC00] =	vst v63  }
0x3f: {  	_ =	swait.ge [sflag:s11], $0x2000  }
0x40: {  	[sflag:s11] =	ssyncset.done $0x0  }
0x41: {  	[sflag:s11] =	ssyncadd.s32 $0xFFFFE000  }
0x42: {  	_ =	swait.ge [sflag:s18], $0x2000  }
0x43: {  	[sflag:s18] =	ssyncset.done $0x0  }
0x44: {  	s26 =	sadd.s32 $0x100, s25;
	[sflag:s18] =	ssyncadd.s32 $0xFFFFE000  }
0x45: {  	[tilespmem:s17], [sflag:$0x1] =	stream.indirect.gather [spmem:s2], $0x40, s26, s16, $0xb8;
	[tilespmem:$0x1CC00] =	vst v63  }
.Ltmp0:
0x46: {  	_ = 	snop;
	(pc) =	sbr.rel @p0 .LBB2_2-.Ltmp0, $4  }
0x47: {  	s25 =	sadd.s32 $0x2880, s25  }
0x48: {  	[spmem:s3] =	stream.indirect.scatter.add.f32 [tilespmem:s19], [sflag:$0x2], $0x40, s25, s16, $0xb8;
	[tilespmem:$0x1CC00] =	vst v63  }
0x49: {  	_ =	swait.ge [sflag:s11], $0x2000  }
0x4a: {  	[sflag:s11] =	ssyncset.done $0x0  }
0x4b: {  	[sflag:s11] =	ssyncadd.s32 $0xFFFFE000  }
0x4c: {  	_ =	swait.ge [sflag:s18], $0x2000  }
0x4d: {  	[sflag:s18] =	ssyncset.done $0x0  }
0x4e: {  	[sflag:s18] =	ssyncadd.s32 $0xFFFFE000  }
0x4f: {  	[tilespmem:s19], [sflag:$0x1] =	stream.indirect.gather [spmem:s2], $0x40, s20, s16, $0xb8;
	[tilespmem:$0x1CC00] =	vst v63  }
0x50: {  	_ = 	snop  }
0x51: {  	[spmem:s3] =	stream.indirect.scatter.add.f32 [tilespmem:s17], [sflag:$0x2], $0x40, s21, s16, $0xb8;
	[tilespmem:$0x1CC00] =	vst v63  }
0x52: {  	_ =	swait.ge [sflag:s11], $0x2000  }
0x53: {  	[sflag:s11] =	ssyncset.done $0x0  }
0x54: {  	[sflag:s11] =	ssyncadd.s32 $0xFFFFE000  }
0x55: {  	_ =	swait.ge [sflag:s18], $0x2000  }
0x56: {  	[sflag:s18] =	ssyncset.done $0x0  }
0x57: {  	[sflag:s18] =	ssyncadd.s32 $0xFFFFE000  }
0x58: {  	[spmem:s3] =	stream.indirect.scatter.add.f32 [tilespmem:s19], [sflag:$0x2], $0x40, s22, s16, $0xb8;
	[tilespmem:$0x1CC00] =	vst v63  }
0x59: {  	_ =	swait.ge [sflag:s11], $0x2000  }
0x5a: {  	s23 =	sadd.s32 $0x1, s23;
	[sflag:s11] =	ssyncset.done $0x0  }
0x5b: {  	p0 =	sne.s32 s23, s10;
	[sflag:s11] =	ssyncadd.s32 $0xFFFFE000  }
.Ltmp1:
0x5c: {  	[bflag:$0x0] =	sbarrier.arrive $0xFFFF;
	(pc) =	sbr.rel @p0 .LBB2_1-.Ltmp1, $4  }
0x5d: {  	[hbm:s9], [sflag:s13] =	dma.local [spmem:s15], $0x13C0  }
0x5e: {  	_ =	swait.ge [sflag:s11], $0x13C0  }
0x5f: {  	[sflag:s11] =	ssyncset.done $0x0  }
0x60: {  	[sflag:s11] =	ssyncadd.s32 $0xFFFFEC40  }
0x61: {  	_ =	sfence.sel $0x180000  }
0x62: {  	[bflag:$0x0] =	sbarrier.arrive $0xFFFF  }
0x63: {  	p0 =	sne.s32 s0, $0x0;
	_ =	strace $0x9000004A  }
0x64: {  	s0 =	sadd.s32 @!p0 $0x100000, s1;
	[bflag:$0x2] =	sbarrier.arrive $0xFFFF  }
0x65: {  	[sflag:s0] =	ssyncadd.tile.s32 @!p0 $0x1;
	_ =	shalt  }
.Lfunc_end2:
_tile_overlayer_lowered:
.L_overlay_start_2:
0x66: {  	(tag) =	ssettag $0x2  }
0x67: {  	s0 =	rddreg [dreg:$0x0];
	s2 =	stileid.u32  }
0x68: {  	s1 =	rddreg [dreg:$0x1];
	p0 =	sne.s32 s2, $0x0  }
0x69: {  	s3 =	rddreg [dreg:$0x2];
	[bflag:$0x3] =	sbarrier.arrive $0xFFFF;
	s2 =	simm.s32 @!p0 $0x1C02  }
0x6a: {  	[timem:s3], [sflag:s2] =	dma.local @!p0 [hbm:s0], s1  }
0x6b: {  	s0 =	simm.s32 @!p0 $0x2  }
0x6c: {  	_ =	swait.ge @!p0 [sflag:s0], s1  }
0x6d: {  	s1 =	ssub.s32 @!p0 $0x0, s1;
	[sflag:s0] =	ssyncset.done @!p0 $0x0  }
0x6e: {  	[sflag:s0] =	ssyncadd.s32 @!p0 s1  }
0x6f: {  	[bflag:$0x3] =	sbarrier.arrive $0xFFFF  }
0x70: {  	_ =	shalt  }

// kernel: kernel.14.cloned.1.call-start
scs
__scs_entry_jumppad:
0x0: {  	(pc) =	sbr.rel $0x88, $3  }
0x1: {  	(tag) =	ssettag $0x0;
	lr =	simm.s32 $0x1  }
0x2: {  	[smem:$0x3F9D] =	sst lr;
	_ =	strace $0xD0000000  }
0x3: {  	_ = 	snop  }
0x4: {  	_ = 	snop  }
0x5: {  	_ = 	snop  }
0x6: {  	_ = 	snop  }
0x7: {  	_ = 	snop  }
__scs_overlays_trampoline_lowered:
0x8: {  	[smem:$0x3FAC] =	sst s0  }
0x9: {  	[smem:$0x3FAD] =	sst s1  }
0xa: {  	[smem:$0x3FAE] =	sst s2  }
0xb: {  	[smem:$0x3FAF] =	sst s3  }
0xc: {  	[smem:$0x3FB0] =	sst s4  }
0xd: {  	[smem:$0x3FB1] =	sst s5  }
0xe: {  	[smem:$0x3FB2] =	sst s6  }
0xf: {  	[smem:$0x3FB3] =	sst s7  }
0x10: {  	[smem:$0x3FB4] =	sst s8  }
0x11: {  	[smem:$0x3FB5] =	sst s9;
	s0 =	simm.s32 @!p0 $0x0  }
0x12: {  	s1 =	sld [smem:$0x3F9B];
	s0 =	simm.s32 @p0 $0x1  }
0x13: {  	[smem:$0x3FB6] =	sst s0;
	s0 =	simm.s32 @!p1 $0x0  }
0x14: {  	s2 =	sld [smem:$0x3F9A];
	s0 =	simm.s32 @p1 $0x1  }
0x15: {  	[smem:$0x3FB7] =	sst s0;
	s0 =	simm.s32 @!p2 $0x0  }
0x16: {  	s3 =	sld [smem:$0x3FDB];
	s0 =	simm.s32 @p2 $0x1  }
0x17: {  	s4 =	simm.s32 $0x1BF5;
	[smem:$0x3FB9] =	sst s0  }
0x18: {  	s0 =	sld [smem:$0x3F9C];
	_ =	swait.ge [sflag:s4], $0x0  }
0x19: {  	s7 =	sld [smem:$0x3F9D]  }
0x1a: {  	s8 =	sadd.s32 $0xFFFFE003, lr  }
0x1b: {  	s9 =	sadd.s32 $0xFFFFFEF7, lr;
	s5 =	simm.s32 $0xFFFFFFFF;
	p2 =	slt.u32 s8, $0xFFFFF086  }
0x1c: {  	p1 =	slt.u32 s9, $0xF7A;
	s5 =	simm.s32 @!p2 $0x0  }
0x1d: {  	s5 =	simm.s32 @p1 $0x1;
	p0 =	seq.s32 s7, s2  }
0x1e: {  	s7 =	smul.u32 @!p0 $0xF7A, s2;
	p2 =	seq.s32 @!p0 s5, $0x0  }
0x1f: {  	s9 =	smul.u32 $0xF7A, s1;
	s8 =	simm.s32 @!p0 $0x1BF5;
	p2 =	por !p2, p0  }
0x20: {  	[sflag:s8] =	ssyncset.s32 @!p0 $0xFFFFF086;
	s6 =	sadd.s32 @!p0 s3, s7;
	s7 =	simm.s32 @!p0 $0x108  }
0x21: {  	s3 =	sadd.s32 s3, s9;
	s6 =	sadd.s32 @!p0 $0x88, s6;
	s7 =	simm.s32 @p2 $0x1082  }
0x22: {  	[simem:s7], [sflag:s8] =	dma.local @!p0 [hbm:s6], $0xF7A  }
0x23: {  	s9 =	sor.u32 $0xD0000000, s2;
	s6 =	simm.s32 $0x108;
	_ =	swait.ge @!p0 [sflag:s8], $0x0  }
0x24: {  	s3 =	sadd.s32 $0x88, s3;
	s6 =	simm.s32 @!p1 $0x1082;
	[sflag:s4] =	ssyncset.s32 $0xFFFFF086  }
0x25: {  	[simem:s6], [sflag:s4] =	dma.local [hbm:s3], $0xF7A  }
0x26: {  	[smem:$0x3F9D] =	sst s1;
	(tag) =	ssettag s2;
	_ =	strace s9  }
0x27: {  	s1 =	sld [smem:$0x3FAD]  }
0x28: {  	s2 =	sld [smem:$0x3FAE]  }
0x29: {  	s4 =	sld [smem:$0x3FB0]  }
0x2a: {  	p0 =	seq.s32 s5, $0x0;
	s5 =	sld [smem:$0x3FB1]  }
0x2b: {  	s6 =	sld [smem:$0x3FB2]  }
0x2c: {  	s7 =	sld [smem:$0x3FB3]  }
0x2d: {  	s3 =	simm.s32 $0x108;
	s8 =	sld [smem:$0x3FB4]  }
0x2e: {  	s3 =	simm.s32 @!p0 $0x1082;
	s9 =	sld [smem:$0x3FB5]  }
0x2f: {  	lr =	sadd.s32 s0, s3;
	s0 =	sld [smem:$0x3FAC]  }
0x30: {  	s3 =	sld [smem:$0x3FAF]  }
0x31: {  	[smem:$0x3FB8] =	sst s10  }
0x32: {  	s10 =	sld [smem:$0x3FB6];
	_ =	sdelay $0x3  }
0x33: {  	p0 =	seq.s32 s10, $0x1;
	s10 =	sld [smem:$0x3FB8];
	_ =	sdelay $0x3  }
0x34: {  	[smem:$0x3FB8] =	sst s10  }
0x35: {  	s10 =	sld [smem:$0x3FB7];
	_ =	sdelay $0x3  }
0x36: {  	p1 =	seq.s32 s10, $0x1;
	s10 =	sld [smem:$0x3FB8];
	_ =	sdelay $0x3  }
0x37: {  	[smem:$0x3FB8] =	sst s10  }
0x38: {  	s10 =	sld [smem:$0x3FB9]  }
0x39: {  	_ = 	snop;
	(pc) =	sbr.ind lr, $3  }
0x3a: {  	_ = 	snop  }
0x3b: {  	_ = 	snop  }
0x3c: {  	p2 =	seq.s32 s10, $0x1;
	s10 =	sld [smem:$0x3FB8]  }
0x3d: {  	_ =	shalt  }
0x3e: {  	_ =	shalt  }
0x3f: {  	_ =	shalt  }
0x40: {  	_ =	shalt  }
0x41: {  	_ =	shalt  }
0x42: {  	_ =	shalt  }
0x43: {  	_ =	shalt  }
0x44: {  	_ =	shalt  }
0x45: {  	_ =	shalt  }
0x46: {  	_ =	shalt  }
0x47: {  	_ =	shalt  }
0x48: {  	_ =	shalt  }
0x49: {  	_ =	shalt  }
0x4a: {  	_ =	shalt  }
0x4b: {  	_ =	shalt  }
0x4c: {  	_ =	shalt  }
0x4d: {  	_ =	shalt  }
0x4e: {  	_ =	shalt  }
0x4f: {  	_ =	shalt  }
0x50: {  	_ =	shalt  }
0x51: {  	_ =	shalt  }
0x52: {  	_ =	shalt  }
0x53: {  	_ =	shalt  }
0x54: {  	_ =	shalt  }
0x55: {  	_ =	shalt  }
0x56: {  	_ =	shalt  }
0x57: {  	_ =	shalt  }
0x58: {  	_ =	shalt  }
0x59: {  	_ =	shalt  }
0x5a: {  	_ =	shalt  }
0x5b: {  	_ =	shalt  }
0x5c: {  	_ =	shalt  }
0x5d: {  	_ =	shalt  }
0x5e: {  	_ =	shalt  }
0x5f: {  	_ =	shalt  }
0x60: {  	_ =	shalt  }
0x61: {  	_ =	shalt  }
0x62: {  	_ =	shalt  }
0x63: {  	_ =	shalt  }
0x64: {  	_ =	shalt  }
0x65: {  	_ =	shalt  }
0x66: {  	_ =	shalt  }
0x67: {  	_ =	shalt  }
0x68: {  	_ =	shalt  }
0x69: {  	_ =	shalt  }
0x6a: {  	_ =	shalt  }
0x6b: {  	_ =	shalt  }
0x6c: {  	_ =	shalt  }
0x6d: {  	_ =	shalt  }
0x6e: {  	_ =	shalt  }
0x6f: {  	_ =	shalt  }
0x70: {  	_ =	shalt  }
0x71: {  	_ =	shalt  }
0x72: {  	_ =	shalt  }
0x73: {  	_ =	shalt  }
0x74: {  	_ =	shalt  }
0x75: {  	_ =	shalt  }
0x76: {  	_ =	shalt  }
0x77: {  	_ =	shalt  }
0x78: {  	_ =	shalt  }
0x79: {  	_ =	shalt  }
0x7a: {  	_ =	shalt  }
0x7b: {  	_ =	shalt  }
0x7c: {  	_ =	shalt  }
0x7d: {  	_ =	shalt  }
0x7e: {  	_ =	shalt  }
0x7f: {  	_ =	shalt  }
0x80: {  	_ =	shalt  }
0x81: {  	_ =	shalt  }
0x82: {  	_ =	shalt  }
0x83: {  	_ =	shalt  }
0x84: {  	_ =	shalt  }
0x85: {  	_ =	shalt  }
0x86: {  	_ =	shalt  }
0x87: {  	_ =	shalt  }
.Lfunc_end0:
.L_simem_size_0:
called_computation.2_lowered:
.L_overlay_start_0:
0x88: {  	s2 =	sld [smem:$0x3FD9]  }
0x89: {  	s3 =	sld [smem:$0x3FFE];
	_ =	sdelay $0x1  }
0x8a: {  	s1 =	srdreg.scid  }
0x8b: {  	s0 =	sand.u32 $0x1, s1  }
0x8c: {  	s17 =	sshll.u32 s0, $0xA;
	s2 =	sadd.s32 s3, s2  }
0x8d: {  	s2 =	sadd.s32 s2, s17  }
0x8e: {  	[smem:$0x3FC4] =	sst s2  }
0x8f: {  	_ = 	snop  }
0x90: {  	s2 =	sld [smem:$0x3FD0];
	(tm) =	ssettm $0x1  }
0x91: {  	s18 =	sld [smem:$0x3FFB];
	_ =	sdelay $0x3  }
0x92: {  	_ =	strace s18  }
0x93: {  	s3 =	sld [smem:$0x3FFC];
	_ =	sdelay $0x3  }
0x94: {  	_ =	strace s3  }
0x95: {  	s3 =	sld [smem:$0x3FFD];
	_ =	sdelay $0x3  }
0x96: {  	_ =	strace s3  }
0x97: {  	_ =	strace $0x8FFFFFFF  }
0x98: {  	s19 =	sld [smem:$0x3FDB];
	_ =	sdelay $0x1  }
0x99: {  	s4 =	simm.s32 $_scs_section_size  }
0x9a: {  	s5 =	simm.s32 $_size__tile_overlayer_lowered;
	s6 =	simm.s32 $_tile_overlayer_lowered  }
0x9b: {  	s22 =	simm.s32 $0x1BFF;
	s21 =	sshll.u32 s6, $0x1;
	s3 =	sadd.s32 s4, s19  }
0x9c: {  	s7 =	simm.s32 $0x0;
	s20 =	sshll.u32 s5, $0x1;
	s5 =	sadd.s32 s21, s3  }
0x9d: {  	[timem:s7], [sflag:s22] =	dma.local [hbm:s5], s20  }
0x9e: {  	_ =	swait.ge [sflag:s22], s20  }
0x9f: {  	s4 =	ssub.s32 $0x0, s20;
	[sflag:s22] =	ssyncset.done $0x0  }
0xa0: {  	[sflag:s22] =	ssyncadd.s32 s4;
	_ =	sdelay $0x1  }
0xa1: {  	s23 =	simm.s32 $0x1B8B  }
0xa2: {  	_ =	swait.ge [sflag:s23], $0x1  }
0xa3: {  	[sflag:s23] =	ssyncset.done $0x0  }
0xa4: {  	s25 =	simm.s32 $0x1B8E;
	s24 =	sld [smem:$0x3FFE];
	[sflag:s23] =	ssyncadd.s32 $0xFFFFFFFF  }
0xa5: {  	s26 =	simm.s32 $execute0_lowered;
	[smem:$0x3FD2] =	sst s25  }
0xa6: {  	s5 =	sshll.u32 s26, $0x1;
	_ =	strace $0x8000004C;
	[dreg:$0x1] =	wrdreg $0xFFFFFFFF  }
0xa7: {  	s28 =	simm.s32 $_size_execute0_lowered;
	s3 =	sadd.s32 s3, s5;
	[dreg:$0x0] =	wrdreg $0x0  }
0xa8: {  	s5 =	sshll.u32 s28, $0x1;
	[dreg:$0x2] =	wrdreg s3  }
0xa9: {  	[dreg:$0x3] =	wrdreg s5  }
0xaa: {  	[dreg:$0x4] =	wrdreg $0xC0  }
0xab: {  	_ =	task [dreg:s7], $0x5FFFF  }
0xac: {  	[dreg:$0x1] =	wrdreg $0xFFFFFFFF  }
0xad: {  	[dreg:$0x0] =	wrdreg $0x60  }
0xae: {  	[dreg:$0x2] =	wrdreg s2  }
0xaf: {  	[dreg:$0x3] =	wrdreg s24  }
0xb0: {  	[dreg:$0x4] =	wrdreg $0x90000  }
0xb1: {  	[dreg:$0x5] =	wrdreg $0x12E000  }
0xb2: {  	[dreg:$0x6] =	wrdreg $0x9  }
0xb3: {  	_ =	task.clear_ibuf [dreg:s7], $0x7FFFF;
	_ =	strace $0x9000004C  }
0xb4: {  	s29 =	simm.s32 $0x9;
	_ =	strace $0x8000004E  }
0xb5: {  	_ =	swait.ge [sflag:s29], $0x1  }
0xb6: {  	[sflag:s29] =	ssyncadd.s32 $0xFFFFFFFF  }
0xb7: {  	_ =	strace $0x9000004E  }
0xb8: {  	_ =	sfence  }
0xb9: {  	s30 =	sld [smem:$0x0];
	_ =	sdelay $0x2  }
0xba: {  	s31 =	sshll.u32 s1, $0xD;
	s1 =	sshrl.u32 s1, $0x2  }
0xbb: {  	s3 =	sand.u32 $0x4000, s31;
	s1 =	sadd.s32 s1, s30  }
0xbc: {  	s0 =	sor.u32 s3, s0;
	s1 =	sshll.u32 s1, $0x11  }
0xbd: {  	s0 =	sor.u32 s1, s0  }
0xbe: {  	s0 =	sadd.s32 $0x8F2B, s0  }
0xbf: {  	[sflag:s0] =	ssyncadd.remote.s32 $0x1  }
0xc0: {  	_ =	sfence.sel $0xFFFF  }
0xc1: {  	[dreg:$0x0] =	wrdreg $0xFFFFFFFF;
	(pc) =	sbr.abs _section_cstart, $3  }
0xc2: {  	[dreg:$0x1] =	wrdreg $0xFFFFFFFF  }
0xc3: {  	_ =	task.clear_ibuf [dreg:s7], $0x2FFFF;
	_ =	strace $0x9FFFFFFF  }
0xc4: {  	(tm) =	ssettm $0x7FFFFFFF  }
0xc5: {  	_ =	shalt  }
tec
execute0_lowered:
.L_overlay_start_1:
0x0: {  	(tag) =	ssettag $0x1  }
0x1: {  	s7 =	rddreg [dreg:$0x0]  }
0x2: {  	s6 =	rddreg [dreg:$0x1]  }
0x3: {  	s2 =	rddreg [dreg:$0x2]  }
0x4: {  	s0 =	srdreg.scid;
	s3 =	rddreg [dreg:$0x3]  }
0x5: {  	s4 =	simm.s32 $0x0;
	s16 =	simm.s32 $0x80;
	s17 =	simm.s32 $0x5000  }
0x6: {  	s18 =	simm.s32 $0x1;
	s19 =	simm.s32 $0x7000;
	s20 =	simm.s32 $0x2780  }
0x7: {  	s21 =	simm.s32 $0x4F00;
	s5 =	sand.u32 $0x1, s0;
	s0 =	stileid.u32  }
0x8: {  	s22 =	simm.s32 $0x4F80;
	s23 =	simm.s32 $0x0;
	s9 =	smul.u32 $0x9E00, s0  }
0x9: {  	[smem:$0x7FF] =	sst s4;
	s1 =	sshll.u32 s5, $0x4;
	s10 =	smul.u32 $0x9E000, s5  }
0xa: {  	s5 =	ssub.s32 $0x2, s5;
	s31 =	sshll.u32 s0, $0x6;
	s1 =	sor.u32 s0, s1  }
0xb: {  	s13 =	sshrl.u32 s5, $0x1;
	s8 =	smul.u32 $0x500, s1;
	s1 =	rddreg [dreg:$0x4]  }
0xc: {  	_ =	strace $0x8000004D;
	s11 =	sshrl.u32 s9, $0x3;
	s10 =	sadd.s32 s9, s10  }
0xd: {  	s13 =	ssub.s32 s5, s13;
	s14 =	sadd.s32 s9, s2;
	s15 =	sadd.s32 s9, s3  }
0xe: {  	s12 =	sadd.s32 s11, s6;
	s10 =	sshrl.u32 s10, $0x3;
	s7 =	sadd.s32 s7, s11  }
0xf: {  	s11 =	simm.s32 $0x2;
	s14 =	sshrl.u32 s14, $0x3;
	s8 =	sadd.s32 s8, s6  }
0x10: {  	s15 =	sshrl.u32 s15, $0x3;
	s10 =	sadd.s32 s10, s6;
	s5 =	sadd.s32 $0x1C00, s8  }
0x11: {  	s6 =	sadd.s32 $0xBC00, s8;
	s8 =	sadd.s32 $0x15C00, s12;
	s9 =	sadd.s32 $0x29800, s10  }
0x12: {  	s10 =	smax.u32 s13, $0x1;
	s12 =	simm.s32 $0x2800;
	s13 =	sor.u32 $0x1C02, s31  }
.LBB2_1:
0x13: {  	[tilespmem:s4], [sflag:$0x2] =	stream.linear.gather [hbm4b:s5+s4], $0x2800, $0x38;
	[tilespmem:$0x1CC00] =	vst v63  }
0x14: {  	_ =	swait.ge [sflag:s11], $0x2800  }
0x15: {  	[sflag:s11] =	ssyncset.done $0x0  }
0x16: {  	[sflag:s11] =	ssyncadd.s32 $0xFFFFD800  }
0x17: {  	[tilespmem:s12], [sflag:$0x2] =	stream.linear.gather [hbm4b:s6+s4], $0x2800, $0x38;
	[tilespmem:$0x1CC00] =	vst v63  }
0x18: {  	_ =	swait.ge [sflag:s11], $0x2800  }
0x19: {  	[sflag:s11] =	ssyncset.done $0x0  }
0x1a: {  	[sflag:s11] =	ssyncadd.s32 $0xFFFFD800  }
0x1b: {  	[spmem:s14], [sflag:s13] =	dma.local [hbm:s7], $0x13C0  }
0x1c: {  	_ =	swait.ge [sflag:s11], $0x13C0  }
0x1d: {  	[sflag:s11] =	ssyncset.done $0x0  }
0x1e: {  	[sflag:s11] =	ssyncadd.s32 $0xFFFFEC40  }
0x1f: {  	[spmem:s15], [sflag:s13] =	dma.local [hbm:s8], $0x13C0  }
0x20: {  	_ =	swait.ge [sflag:s11], $0x13C0  }
0x21: {  	[sflag:s11] =	ssyncset.done $0x0  }
0x22: {  	[sflag:s11] =	ssyncadd.s32 $0xFFFFEC40  }
0x23: {  	[bflag:$0x0] =	sbarrier.arrive $0xFFFF  }
0x24: {  	[tilespmem:s17], [sflag:$0x1] =	stream.indirect.gather [spmem:s2], $0x40, s4, s16, $0xb8;
	[tilespmem:$0x1CC00] =	vst v63  }
0x25: {  	_ =	swait.ge [sflag:s18], $0x2000  }
0x26: {  	[sflag:s18] =	ssyncset.done $0x0  }
0x27: {  	s24 =	simm.s32 $0x80;
	[sflag:s18] =	ssyncadd.s32 $0xFFFFE000  }
0x28: {  	[tilespmem:s19], [sflag:$0x1] =	stream.indirect.gather [spmem:s2], $0x40, s24, s16, $0xb8;
	[tilespmem:$0x1CC00] =	vst v63  }
0x29: {  	s29 =	simm.s32 $0x2800  }
0x2a: {  	[spmem:s3] =	stream.indirect.scatter.add.f32 [tilespmem:s17], [sflag:$0x2], $0x40, s29, s16, $0xb8;
	[tilespmem:$0x1CC00] =	vst v63  }
0x2b: {  	_ =	swait.ge [sflag:s11], $0x2000  }
0x2c: {  	[sflag:s11] =	ssyncset.done $0x0  }
0x2d: {  	[sflag:s11] =	ssyncadd.s32 $0xFFFFE000  }
0x2e: {  	_ =	swait.ge [sflag:s18], $0x2000  }
0x2f: {  	[sflag:s18] =	ssyncset.done $0x0  }
0x30: {  	s30 =	simm.s32 $0x100;
	[sflag:s18] =	ssyncadd.s32 $0xFFFFE000  }
0x31: {  	[tilespmem:s17], [sflag:$0x1] =	stream.indirect.gather [spmem:s2], $0x40, s30, s16, $0xb8;
	[tilespmem:$0x1CC00] =	vst v63  }
0x32: {  	s31 =	simm.s32 $0x2880  }
0x33: {  	[spmem:s3] =	stream.indirect.scatter.add.f32 [tilespmem:s19], [sflag:$0x2], $0x40, s31, s16, $0xb8;
	[tilespmem:$0x1CC00] =	vst v63  }
0x34: {  	_ =	swait.ge [sflag:s11], $0x2000  }
0x35: {  	s24 =	simm.s32 $0x400;
	[sflag:s11] =	ssyncset.done $0x0  }
.LBB2_2:
0x36: {  	p0 =	sne.s32 s24, $0x9800  }
0x37: {  	[sflag:s11] =	ssyncadd.s32 $0xFFFFE000;
	s25 =	smov.u32 s24;
	s24 =	sadd.s32 $0x400, s24  }
0x38: {  	_ = 	snop  }
0x39: {  	_ =	swait.ge [sflag:s18], $0x2000  }
0x3a: {  	s25 =	sshra.s32 s25, $0x2;
	[sflag:s18] =	ssyncset.done $0x0  }
0x3b: {  	s26 =	sadd.s32 $0x80, s25;
	[sflag:s18] =	ssyncadd.s32 $0xFFFFE000  }
0x3c: {  	[tilespmem:s19], [sflag:$0x1] =	stream.indirect.gather [spmem:s2], $0x40, s26, s16, $0xb8;
	[tilespmem:$0x1CC00] =	vst v63  }
0x3d: {  	s26 =	sadd.s32 $0x2800, s25  }
0x3e: {  	[spmem:s3] =	stream.indirect.scatter.add.f32 [tilespmem:s17], [sflag:$0x2], $0x40, s26, s16, $0xb8;
	[tilespmem:$0x1CC00] =	vst v63  }
0x3f: {  	_ =	swait.ge [sflag:s11], $0x2000  }
0x40: {  	[sflag:s11] =	ssyncset.done $0x0  }
0x41: {  	[sflag:s11] =	ssyncadd.s32 $0xFFFFE000  }
0x42: {  	_ =	swait.ge [sflag:s18], $0x2000  }
0x43: {  	[sflag:s18] =	ssyncset.done $0x0  }
0x44: {  	s26 =	sadd.s32 $0x100, s25;
	[sflag:s18] =	ssyncadd.s32 $0xFFFFE000  }
0x45: {  	[tilespmem:s17], [sflag:$0x1] =	stream.indirect.gather [spmem:s2], $0x40, s26, s16, $0xb8;
	[tilespmem:$0x1CC00] =	vst v63  }
.Ltmp0:
0x46: {  	_ = 	snop;
	(pc) =	sbr.rel @p0 .LBB2_2-.Ltmp0, $4  }
0x47: {  	s25 =	sadd.s32 $0x2880, s25  }
0x48: {  	[spmem:s3] =	stream.indirect.scatter.add.f32 [tilespmem:s19], [sflag:$0x2], $0x40, s25, s16, $0xb8;
	[tilespmem:$0x1CC00] =	vst v63  }
0x49: {  	_ =	swait.ge [sflag:s11], $0x2000  }
0x4a: {  	[sflag:s11] =	ssyncset.done $0x0  }
0x4b: {  	[sflag:s11] =	ssyncadd.s32 $0xFFFFE000  }
0x4c: {  	_ =	swait.ge [sflag:s18], $0x2000  }
0x4d: {  	[sflag:s18] =	ssyncset.done $0x0  }
0x4e: {  	[sflag:s18] =	ssyncadd.s32 $0xFFFFE000  }
0x4f: {  	[tilespmem:s19], [sflag:$0x1] =	stream.indirect.gather [spmem:s2], $0x40, s20, s16, $0xb8;
	[tilespmem:$0x1CC00] =	vst v63  }
0x50: {  	_ = 	snop  }
0x51: {  	[spmem:s3] =	stream.indirect.scatter.add.f32 [tilespmem:s17], [sflag:$0x2], $0x40, s21, s16, $0xb8;
	[tilespmem:$0x1CC00] =	vst v63  }
0x52: {  	_ =	swait.ge [sflag:s11], $0x2000  }
0x53: {  	[sflag:s11] =	ssyncset.done $0x0  }
0x54: {  	[sflag:s11] =	ssyncadd.s32 $0xFFFFE000  }
0x55: {  	_ =	swait.ge [sflag:s18], $0x2000  }
0x56: {  	[sflag:s18] =	ssyncset.done $0x0  }
0x57: {  	[sflag:s18] =	ssyncadd.s32 $0xFFFFE000  }
0x58: {  	[spmem:s3] =	stream.indirect.scatter.add.f32 [tilespmem:s19], [sflag:$0x2], $0x40, s22, s16, $0xb8;
	[tilespmem:$0x1CC00] =	vst v63  }
0x59: {  	_ =	swait.ge [sflag:s11], $0x2000  }
0x5a: {  	s23 =	sadd.s32 $0x1, s23;
	[sflag:s11] =	ssyncset.done $0x0  }
0x5b: {  	p0 =	sne.s32 s23, s10;
	[sflag:s11] =	ssyncadd.s32 $0xFFFFE000  }
.Ltmp1:
0x5c: {  	[bflag:$0x0] =	sbarrier.arrive $0xFFFF;
	(pc) =	sbr.rel @p0 .LBB2_1-.Ltmp1, $4  }
0x5d: {  	[hbm:s9], [sflag:s13] =	dma.local [spmem:s15], $0x13C0  }
0x5e: {  	_ =	swait.ge [sflag:s11], $0x13C0  }
0x5f: {  	[sflag:s11] =	ssyncset.done $0x0  }
0x60: {  	[sflag:s11] =	ssyncadd.s32 $0xFFFFEC40  }
0x61: {  	_ =	sfence.sel $0x180000  }
0x62: {  	[bflag:$0x0] =	sbarrier.arrive $0xFFFF  }
0x63: {  	p0 =	sne.s32 s0, $0x0;
	_ =	strace $0x9000004D  }
0x64: {  	s0 =	sadd.s32 @!p0 $0x100000, s1;
	[bflag:$0x2] =	sbarrier.arrive $0xFFFF  }
0x65: {  	[sflag:s0] =	ssyncadd.tile.s32 @!p0 $0x1;
	_ =	shalt  }
.Lfunc_end2:
_tile_overlayer_lowered:
.L_overlay_start_2:
0x66: {  	(tag) =	ssettag $0x2  }
0x67: {  	s0 =	rddreg [dreg:$0x0];
	s2 =	stileid.u32  }
0x68: {  	s1 =	rddreg [dreg:$0x1];
	p0 =	sne.s32 s2, $0x0  }
0x69: {  	s3 =	rddreg [dreg:$0x2];
	[bflag:$0x3] =	sbarrier.arrive $0xFFFF;
	s2 =	simm.s32 @!p0 $0x1C02  }
0x6a: {  	[timem:s3], [sflag:s2] =	dma.local @!p0 [hbm:s0], s1  }
0x6b: {  	s0 =	simm.s32 @!p0 $0x2  }
0x6c: {  	_ =	swait.ge @!p0 [sflag:s0], s1  }
0x6d: {  	s1 =	ssub.s32 @!p0 $0x0, s1;
	[sflag:s0] =	ssyncset.done @!p0 $0x0  }
0x6e: {  	[sflag:s0] =	ssyncadd.s32 @!p0 s1  }
0x6f: {  	[bflag:$0x3] =	sbarrier.arrive $0xFFFF  }
0x70: {  	_ =	shalt  }

// kernel: kernel.8.cloned.1.call-start
scs
__scs_entry_jumppad:
0x0: {  	(pc) =	sbr.rel $0x88, $3  }
0x1: {  	(tag) =	ssettag $0x0;
	lr =	simm.s32 $0x1  }
0x2: {  	[smem:$0x3F9D] =	sst lr;
	_ =	strace $0xD0000000  }
0x3: {  	_ = 	snop  }
0x4: {  	_ = 	snop  }
0x5: {  	_ = 	snop  }
0x6: {  	_ = 	snop  }
0x7: {  	_ = 	snop  }
__scs_overlays_trampoline_lowered:
0x8: {  	[smem:$0x3FAC] =	sst s0  }
0x9: {  	[smem:$0x3FAD] =	sst s1  }
0xa: {  	[smem:$0x3FAE] =	sst s2  }
0xb: {  	[smem:$0x3FAF] =	sst s3  }
0xc: {  	[smem:$0x3FB0] =	sst s4  }
0xd: {  	[smem:$0x3FB1] =	sst s5  }
0xe: {  	[smem:$0x3FB2] =	sst s6  }
0xf: {  	[smem:$0x3FB3] =	sst s7  }
0x10: {  	[smem:$0x3FB4] =	sst s8  }
0x11: {  	[smem:$0x3FB5] =	sst s9;
	s0 =	simm.s32 @!p0 $0x0  }
0x12: {  	s1 =	sld [smem:$0x3F9B];
	s0 =	simm.s32 @p0 $0x1  }
0x13: {  	[smem:$0x3FB6] =	sst s0;
	s0 =	simm.s32 @!p1 $0x0  }
0x14: {  	s2 =	sld [smem:$0x3F9A];
	s0 =	simm.s32 @p1 $0x1  }
0x15: {  	[smem:$0x3FB7] =	sst s0;
	s0 =	simm.s32 @!p2 $0x0  }
0x16: {  	s3 =	sld [smem:$0x3FDB];
	s0 =	simm.s32 @p2 $0x1  }
0x17: {  	s4 =	simm.s32 $0x1BF5;
	[smem:$0x3FB9] =	sst s0  }
0x18: {  	s0 =	sld [smem:$0x3F9C];
	_ =	swait.ge [sflag:s4], $0x0  }
0x19: {  	s7 =	sld [smem:$0x3F9D]  }
0x1a: {  	s8 =	sadd.s32 $0xFFFFE003, lr  }
0x1b: {  	s9 =	sadd.s32 $0xFFFFFEF7, lr;
	s5 =	simm.s32 $0xFFFFFFFF;
	p2 =	slt.u32 s8, $0xFFFFF086  }
0x1c: {  	p1 =	slt.u32 s9, $0xF7A;
	s5 =	simm.s32 @!p2 $0x0  }
0x1d: {  	s5 =	simm.s32 @p1 $0x1;
	p0 =	seq.s32 s7, s2  }
0x1e: {  	s7 =	smul.u32 @!p0 $0xF7A, s2;
	p2 =	seq.s32 @!p0 s5, $0x0  }
0x1f: {  	s9 =	smul.u32 $0xF7A, s1;
	s8 =	simm.s32 @!p0 $0x1BF5;
	p2 =	por !p2, p0  }
0x20: {  	[sflag:s8] =	ssyncset.s32 @!p0 $0xFFFFF086;
	s6 =	sadd.s32 @!p0 s3, s7;
	s7 =	simm.s32 @!p0 $0x108  }
0x21: {  	s3 =	sadd.s32 s3, s9;
	s6 =	sadd.s32 @!p0 $0x88, s6;
	s7 =	simm.s32 @p2 $0x1082  }
0x22: {  	[simem:s7], [sflag:s8] =	dma.local @!p0 [hbm:s6], $0xF7A  }
0x23: {  	s9 =	sor.u32 $0xD0000000, s2;
	s6 =	simm.s32 $0x108;
	_ =	swait.ge @!p0 [sflag:s8], $0x0  }
0x24: {  	s3 =	sadd.s32 $0x88, s3;
	s6 =	simm.s32 @!p1 $0x1082;
	[sflag:s4] =	ssyncset.s32 $0xFFFFF086  }
0x25: {  	[simem:s6], [sflag:s4] =	dma.local [hbm:s3], $0xF7A  }
0x26: {  	[smem:$0x3F9D] =	sst s1;
	(tag) =	ssettag s2;
	_ =	strace s9  }
0x27: {  	s1 =	sld [smem:$0x3FAD]  }
0x28: {  	s2 =	sld [smem:$0x3FAE]  }
0x29: {  	s4 =	sld [smem:$0x3FB0]  }
0x2a: {  	p0 =	seq.s32 s5, $0x0;
	s5 =	sld [smem:$0x3FB1]  }
0x2b: {  	s6 =	sld [smem:$0x3FB2]  }
0x2c: {  	s7 =	sld [smem:$0x3FB3]  }
0x2d: {  	s3 =	simm.s32 $0x108;
	s8 =	sld [smem:$0x3FB4]  }
0x2e: {  	s3 =	simm.s32 @!p0 $0x1082;
	s9 =	sld [smem:$0x3FB5]  }
0x2f: {  	lr =	sadd.s32 s0, s3;
	s0 =	sld [smem:$0x3FAC]  }
0x30: {  	s3 =	sld [smem:$0x3FAF]  }
0x31: {  	[smem:$0x3FB8] =	sst s10  }
0x32: {  	s10 =	sld [smem:$0x3FB6];
	_ =	sdelay $0x3  }
0x33: {  	p0 =	seq.s32 s10, $0x1;
	s10 =	sld [smem:$0x3FB8];
	_ =	sdelay $0x3  }
0x34: {  	[smem:$0x3FB8] =	sst s10  }
0x35: {  	s10 =	sld [smem:$0x3FB7];
	_ =	sdelay $0x3  }
0x36: {  	p1 =	seq.s32 s10, $0x1;
	s10 =	sld [smem:$0x3FB8];
	_ =	sdelay $0x3  }
0x37: {  	[smem:$0x3FB8] =	sst s10  }
0x38: {  	s10 =	sld [smem:$0x3FB9]  }
0x39: {  	_ = 	snop;
	(pc) =	sbr.ind lr, $3  }
0x3a: {  	_ = 	snop  }
0x3b: {  	_ = 	snop  }
0x3c: {  	p2 =	seq.s32 s10, $0x1;
	s10 =	sld [smem:$0x3FB8]  }
0x3d: {  	_ =	shalt  }
0x3e: {  	_ =	shalt  }
0x3f: {  	_ =	shalt  }
0x40: {  	_ =	shalt  }
0x41: {  	_ =	shalt  }
0x42: {  	_ =	shalt  }
0x43: {  	_ =	shalt  }
0x44: {  	_ =	shalt  }
0x45: {  	_ =	shalt  }
0x46: {  	_ =	shalt  }
0x47: {  	_ =	shalt  }
0x48: {  	_ =	shalt  }
0x49: {  	_ =	shalt  }
0x4a: {  	_ =	shalt  }
0x4b: {  	_ =	shalt  }
0x4c: {  	_ =	shalt  }
0x4d: {  	_ =	shalt  }
0x4e: {  	_ =	shalt  }
0x4f: {  	_ =	shalt  }
0x50: {  	_ =	shalt  }
0x51: {  	_ =	shalt  }
0x52: {  	_ =	shalt  }
0x53: {  	_ =	shalt  }
0x54: {  	_ =	shalt  }
0x55: {  	_ =	shalt  }
0x56: {  	_ =	shalt  }
0x57: {  	_ =	shalt  }
0x58: {  	_ =	shalt  }
0x59: {  	_ =	shalt  }
0x5a: {  	_ =	shalt  }
0x5b: {  	_ =	shalt  }
0x5c: {  	_ =	shalt  }
0x5d: {  	_ =	shalt  }
0x5e: {  	_ =	shalt  }
0x5f: {  	_ =	shalt  }
0x60: {  	_ =	shalt  }
0x61: {  	_ =	shalt  }
0x62: {  	_ =	shalt  }
0x63: {  	_ =	shalt  }
0x64: {  	_ =	shalt  }
0x65: {  	_ =	shalt  }
0x66: {  	_ =	shalt  }
0x67: {  	_ =	shalt  }
0x68: {  	_ =	shalt  }
0x69: {  	_ =	shalt  }
0x6a: {  	_ =	shalt  }
0x6b: {  	_ =	shalt  }
0x6c: {  	_ =	shalt  }
0x6d: {  	_ =	shalt  }
0x6e: {  	_ =	shalt  }
0x6f: {  	_ =	shalt  }
0x70: {  	_ =	shalt  }
0x71: {  	_ =	shalt  }
0x72: {  	_ =	shalt  }
0x73: {  	_ =	shalt  }
0x74: {  	_ =	shalt  }
0x75: {  	_ =	shalt  }
0x76: {  	_ =	shalt  }
0x77: {  	_ =	shalt  }
0x78: {  	_ =	shalt  }
0x79: {  	_ =	shalt  }
0x7a: {  	_ =	shalt  }
0x7b: {  	_ =	shalt  }
0x7c: {  	_ =	shalt  }
0x7d: {  	_ =	shalt  }
0x7e: {  	_ =	shalt  }
0x7f: {  	_ =	shalt  }
0x80: {  	_ =	shalt  }
0x81: {  	_ =	shalt  }
0x82: {  	_ =	shalt  }
0x83: {  	_ =	shalt  }
0x84: {  	_ =	shalt  }
0x85: {  	_ =	shalt  }
0x86: {  	_ =	shalt  }
0x87: {  	_ =	shalt  }
.Lfunc_end0:
.L_simem_size_0:
called_computation_lowered:
.L_overlay_start_0:
0x88: {  	s2 =	sld [smem:$0x3FD9]  }
0x89: {  	s3 =	sld [smem:$0x3FFE];
	_ =	sdelay $0x1  }
0x8a: {  	s1 =	srdreg.scid  }
0x8b: {  	s0 =	sand.u32 $0x1, s1  }
0x8c: {  	s17 =	sshll.u32 s0, $0xA;
	s2 =	sadd.s32 s3, s2  }
0x8d: {  	s2 =	sadd.s32 s2, s17  }
0x8e: {  	[smem:$0x3FC4] =	sst s2  }
0x8f: {  	_ = 	snop  }
0x90: {  	s2 =	sld [smem:$0x3FD0];
	(tm) =	ssettm $0x1  }
0x91: {  	s18 =	sld [smem:$0x3FFB];
	_ =	sdelay $0x3  }
0x92: {  	_ =	strace s18  }
0x93: {  	s3 =	sld [smem:$0x3FFC];
	_ =	sdelay $0x3  }
0x94: {  	_ =	strace s3  }
0x95: {  	s3 =	sld [smem:$0x3FFD];
	_ =	sdelay $0x3  }
0x96: {  	_ =	strace s3  }
0x97: {  	_ =	strace $0x8FFFFFFF  }
0x98: {  	s19 =	sld [smem:$0x3FDB];
	_ =	sdelay $0x1  }
0x99: {  	s4 =	simm.s32 $_scs_section_size  }
0x9a: {  	s5 =	simm.s32 $_size__tile_overlayer_lowered;
	s6 =	simm.s32 $_tile_overlayer_lowered  }
0x9b: {  	s22 =	simm.s32 $0x1BFF;
	s21 =	sshll.u32 s6, $0x1;
	s3 =	sadd.s32 s4, s19  }
0x9c: {  	s7 =	simm.s32 $0x0;
	s20 =	sshll.u32 s5, $0x1;
	s5 =	sadd.s32 s21, s3  }
0x9d: {  	[timem:s7], [sflag:s22] =	dma.local [hbm:s5], s20  }
0x9e: {  	_ =	swait.ge [sflag:s22], s20  }
0x9f: {  	s4 =	ssub.s32 $0x0, s20;
	[sflag:s22] =	ssyncset.done $0x0  }
0xa0: {  	[sflag:s22] =	ssyncadd.s32 s4;
	_ =	sdelay $0x1  }
0xa1: {  	s23 =	simm.s32 $0x1B8B  }
0xa2: {  	_ =	swait.ge [sflag:s23], $0x1  }
0xa3: {  	[sflag:s23] =	ssyncset.done $0x0  }
0xa4: {  	s25 =	simm.s32 $0x1B8E;
	s24 =	sld [smem:$0x3FFE];
	[sflag:s23] =	ssyncadd.s32 $0xFFFFFFFF  }
0xa5: {  	s26 =	simm.s32 $execute0_lowered;
	[smem:$0x3FD2] =	sst s25  }
0xa6: {  	s5 =	sshll.u32 s26, $0x1;
	_ =	strace $0x80000046;
	[dreg:$0x1] =	wrdreg $0xFFFFFFFF  }
0xa7: {  	s28 =	simm.s32 $_size_execute0_lowered;
	s3 =	sadd.s32 s3, s5;
	[dreg:$0x0] =	wrdreg $0x0  }
0xa8: {  	s5 =	sshll.u32 s28, $0x1;
	[dreg:$0x2] =	wrdreg s3  }
0xa9: {  	[dreg:$0x3] =	wrdreg s5  }
0xaa: {  	[dreg:$0x4] =	wrdreg $0xC0  }
0xab: {  	_ =	task [dreg:s7], $0x5FFFF  }
0xac: {  	[dreg:$0x1] =	wrdreg $0xFFFFFFFF  }
0xad: {  	[dreg:$0x0] =	wrdreg $0x60  }
0xae: {  	[dreg:$0x2] =	wrdreg s24  }
0xaf: {  	[dreg:$0x3] =	wrdreg s2  }
0xb0: {  	[dreg:$0x4] =	wrdreg $0x30000  }
0xb1: {  	[dreg:$0x5] =	wrdreg $0x9  }
0xb2: {  	_ =	task.clear_ibuf [dreg:s7], $0x6FFFF;
	_ =	strace $0x90000046  }
0xb3: {  	s29 =	simm.s32 $0x9;
	_ =	strace $0x80000048  }
0xb4: {  	_ =	swait.ge [sflag:s29], $0x1  }
0xb5: {  	[sflag:s29] =	ssyncadd.s32 $0xFFFFFFFF  }
0xb6: {  	_ =	strace $0x90000048  }
0xb7: {  	_ =	sfence  }
0xb8: {  	s30 =	sld [smem:$0x0];
	_ =	sdelay $0x2  }
0xb9: {  	s31 =	sshll.u32 s1, $0xD;
	s1 =	sshrl.u32 s1, $0x2  }
0xba: {  	s3 =	sand.u32 $0x4000, s31;
	s1 =	sadd.s32 s1, s30  }
0xbb: {  	s0 =	sor.u32 s3, s0;
	s1 =	sshll.u32 s1, $0x11  }
0xbc: {  	s0 =	sor.u32 s1, s0  }
0xbd: {  	s0 =	sadd.s32 $0x8F2B, s0  }
0xbe: {  	[sflag:s0] =	ssyncadd.remote.s32 $0x1  }
0xbf: {  	_ =	sfence.sel $0xFFFF  }
0xc0: {  	[dreg:$0x0] =	wrdreg $0xFFFFFFFF;
	(pc) =	sbr.abs _section_cstart, $3  }
0xc1: {  	[dreg:$0x1] =	wrdreg $0xFFFFFFFF  }
0xc2: {  	_ =	task.clear_ibuf [dreg:s7], $0x2FFFF;
	_ =	strace $0x9FFFFFFF  }
0xc3: {  	(tm) =	ssettm $0x7FFFFFFF  }
tec
execute0_lowered:
.L_overlay_start_1:
0x0: {  	(tag) =	ssettag $0x1  }
0x1: {  	s5 =	rddreg [dreg:$0x0]  }
0x2: {  	s7 =	rddreg [dreg:$0x1]  }
0x3: {  	s0 =	srdreg.scid;
	s2 =	rddreg [dreg:$0x2]  }
0x4: {  	s3 =	simm.s32 $0x0;
	s6 =	sand.u32 $0x1, s0;
	s0 =	stileid.u32  }
0x5: {  	s14 =	simm.s32 $0x1;
	s15 =	simm.s32 $0x0;
	s8 =	smul.u32 $0x2780, s0  }
0x6: {  	[smem:$0x7FF] =	sst s3;
	s1 =	sshll.u32 s6, $0x4;
	s10 =	smul.u32 $0x27800, s6  }
0x7: {  	s6 =	ssub.s32 $0x2, s6;
	s31 =	sshll.u32 s0, $0x6;
	s4 =	sor.u32 s0, s1  }
0x8: {  	s1 =	rddreg [dreg:$0x3];
	_ =	strace $0x80000047;
	s29 =	sshrl.u32 s6, $0x1  }
0x9: {  	s4 =	smul.u32 $0x500, s4;
	s11 =	sshrl.u32 s8, $0x3;
	s10 =	sadd.s32 s8, s10  }
0xa: {  	s12 =	ssub.s32 s6, s29;
	s13 =	sadd.s32 s8, s2;
	s11 =	sadd.s32 s11, s5  }
0xb: {  	s30 =	sshrl.u32 s10, $0x3;
	s8 =	smax.u32 s12, $0x1;
	s10 =	simm.s32 $0x2800  }
0xc: {  	s12 =	sshrl.u32 s13, $0x3;
	s13 =	simm.s32 $0x80;
	s9 =	sadd.s32 s4, s5  }
0xd: {  	s4 =	sadd.s32 $0x15C00, s5;
	s6 =	sadd.s32 $0x15E00, s11;
	s7 =	sadd.s32 s7, s30  }
0xe: {  	s11 =	sor.u32 $0x1C02, s31;
	s5 =	sadd.s32 $0xBC00, s9;
	s9 =	simm.s32 $0x2  }
.LBB2_1:
0xf: {  	[tilespmem:s3], [sflag:$0x2] =	stream.linear.gather [hbm4b:s5+s3], $0x2800, $0x38;
	[tilespmem:$0x5780] =	vst v63  }
0x10: {  	_ =	swait.ge [sflag:s9], $0x2800  }
0x11: {  	[sflag:s9] =	ssyncset.done $0x0  }
0x12: {  	[sflag:s9] =	ssyncadd.s32 $0xFFFFD800  }
0x13: {  	[tilespmem:s10], [sflag:$0x2] =	stream.linear.gather [hbm4b:s4+s3], $0x800, $0x38;
	[tilespmem:$0x5780] =	vst v63  }
0x14: {  	_ =	swait.ge [sflag:s9], $0x800  }
0x15: {  	[sflag:s9] =	ssyncset.done $0x0  }
0x16: {  	[sflag:s9] =	ssyncadd.s32 $0xFFFFF800  }
0x17: {  	[spmem:s12], [sflag:s11] =	dma.local [hbm:s6], $0x4F0  }
0x18: {  	_ =	swait.ge [sflag:s9], $0x4F0  }
0x19: {  	[sflag:s9] =	ssyncset.done $0x0  }
0x1a: {  	[sflag:s9] =	ssyncadd.s32 $0xFFFFFB10  }
0x1b: {  	s16 =	simm.s32 $0x0;
	[bflag:$0x0] =	sbarrier.arrive $0xFFFF  }
0x1c: {  	[spmem:s2] =	stream.indirect.scatter.add.f32 [tilespmem:s10], [sflag:$0x1], $0x10, s16, s13, $0xb8;
	[tilespmem:$0x5780] =	vst v63  }
0x1d: {  	s31 =	simm.s32 $0x80  }
0x1e: {  	[spmem:s2] =	stream.indirect.scatter.add.f32 [tilespmem:s10], [sflag:$0x1], $0x10, s31, s13, $0xb8;
	[tilespmem:$0x5780] =	vst v63  }
0x1f: {  	_ =	swait.ge [sflag:s14], $0x800  }
0x20: {  	[sflag:s14] =	ssyncset.done $0x0  }
0x21: {  	[sflag:s14] =	ssyncadd.s32 $0xFFFFF800  }
0x22: {  	_ =	swait.ge [sflag:s14], $0x800  }
0x23: {  	s17 =	simm.s32 $0x800;
	s16 =	simm.s32 $0x400;
	[sflag:s14] =	ssyncset.done $0x0  }
.LBB2_2:
0x24: {  	s18 =	sshra.s32 s16, $0x2  }
0x25: {  	[sflag:s14] =	ssyncadd.s32 $0xFFFFF800;
	s16 =	smov.u32 s17;
	s19 =	sadd.s32 $0x400, s17  }
0x26: {  	[spmem:s2] =	stream.indirect.scatter.add.f32 [tilespmem:s10], [sflag:$0x1], $0x10, s18, s13, $0xb8;
	[tilespmem:$0x5780] =	vst v63  }
0x27: {  	p0 =	sne.s32 s17, $0x9C00;
	s17 =	sadd.s32 $0x80, s18  }
0x28: {  	[spmem:s2] =	stream.indirect.scatter.add.f32 [tilespmem:s10], [sflag:$0x1], $0x10, s17, s13, $0xb8;
	[tilespmem:$0x5780] =	vst v63  }
.Ltmp0:
0x29: {  	_ =	swait.ge [sflag:s14], $0x800;
	(pc) =	sbr.rel @p0 .LBB2_2-.Ltmp0, $4  }
0x2a: {  	[sflag:s14] =	ssyncset.done $0x0  }
0x2b: {  	[sflag:s14] =	ssyncadd.s32 $0xFFFFF800  }
0x2c: {  	_ =	swait.ge [sflag:s14], $0x800  }
0x2d: {  	s17 =	smov.u32 s19;
	[sflag:s14] =	ssyncset.done $0x0  }
0x2e: {  	s16 =	sshra.s32 s16, $0x2;
	[sflag:s14] =	ssyncadd.s32 $0xFFFFF800  }
0x2f: {  	[spmem:s2] =	stream.indirect.scatter.add.f32 [tilespmem:s10], [sflag:$0x1], $0x10, s16, s13, $0xb8;
	[tilespmem:$0x5780] =	vst v63  }
0x30: {  	s16 =	sadd.s32 $0x80, s16  }
0x31: {  	[spmem:s2] =	stream.indirect.scatter.add.f32 [tilespmem:s10], [sflag:$0x1], $0x10, s16, s13, $0xb8;
	[tilespmem:$0x5780] =	vst v63  }
0x32: {  	_ =	swait.ge [sflag:s14], $0x800  }
0x33: {  	[sflag:s14] =	ssyncset.done $0x0  }
0x34: {  	[sflag:s14] =	ssyncadd.s32 $0xFFFFF800  }
0x35: {  	_ =	swait.ge [sflag:s14], $0x800  }
0x36: {  	s15 =	sadd.s32 $0x1, s15;
	[sflag:s14] =	ssyncset.done $0x0  }
0x37: {  	p0 =	sne.s32 s15, s8;
	[sflag:s14] =	ssyncadd.s32 $0xFFFFF800  }
.Ltmp1:
0x38: {  	[bflag:$0x0] =	sbarrier.arrive $0xFFFF;
	(pc) =	sbr.rel @p0 .LBB2_1-.Ltmp1, $4  }
0x39: {  	[hbm:s7], [sflag:s11] =	dma.local [spmem:s12], $0x4F0  }
0x3a: {  	_ =	swait.ge [sflag:s9], $0x4F0  }
0x3b: {  	[sflag:s9] =	ssyncset.done $0x0  }
0x3c: {  	[sflag:s9] =	ssyncadd.s32 $0xFFFFFB10  }
0x3d: {  	_ =	sfence.sel $0x180000  }
0x3e: {  	[bflag:$0x0] =	sbarrier.arrive $0xFFFF  }
0x3f: {  	p0 =	sne.s32 s0, $0x0;
	_ =	strace $0x90000047  }
0x40: {  	s0 =	sadd.s32 @!p0 $0x100000, s1;
	[bflag:$0x2] =	sbarrier.arrive $0xFFFF  }
0x41: {  	[sflag:s0] =	ssyncadd.tile.s32 @!p0 $0x1;
	_ =	shalt  }
.Lfunc_end2:
_tile_overlayer_lowered:
.L_overlay_start_2:
0x42: {  	(tag) =	ssettag $0x2  }
0x43: {  	s0 =	rddreg [dreg:$0x0];
	s2 =	stileid.u32  }
0x44: {  	s1 =	rddreg [dreg:$0x1];
	p0 =	sne.s32 s2, $0x0  }
0x45: {  	s3 =	rddreg [dreg:$0x2];
	[bflag:$0x3] =	sbarrier.arrive $0xFFFF;
	s2 =	simm.s32 @!p0 $0x1C02  }
0x46: {  	[timem:s3], [sflag:s2] =	dma.local @!p0 [hbm:s0], s1  }
0x47: {  	s0 =	simm.s32 @!p0 $0x2  }
0x48: {  	_ =	swait.ge @!p0 [sflag:s0], s1  }
0x49: {  	s1 =	ssub.s32 @!p0 $0x0, s1;
	[sflag:s0] =	ssyncset.done @!p0 $0x0  }
0x4a: {  	[sflag:s0] =	ssyncadd.s32 @!p0 s1  }
0x4b: {  	[bflag:$0x3] =	sbarrier.arrive $0xFFFF  }
0x4c: {  	_ =	shalt  }

</sc_bundles>
